<compile_context>
chip_gen: v7x
topology: tpu7x:2x2x1
jax: 0.10.2.dev20260603
libtpu: 0.0.44.dev20260713+nightly
codegen_flags: <defaults>
</compile_context>

<pallas_src>
import functools

import jax
import jax.numpy as jnp
from jax import lax
from jax.experimental import pallas as pl
from jax.experimental.pallas import tpu as pltpu
from jax.experimental.pallas import tpu_sc as plsc

HIDDEN = 128
SEQ = 200
EPS = 1e-12
LANES = 16
HREGS = HIDDEN // LANES

NUM_CORES = 2
NUM_SUBCORES = 16
NW = NUM_CORES * NUM_SUBCORES

CHUNK = 128


def _rsqrt(x):
    i = plsc.bitcast(x, jnp.int32)
    i = jnp.int32(0x5F3759DF) - lax.shift_right_arithmetic(i, 1)
    y = plsc.bitcast(i, jnp.float32)
    for _ in range(3):
        y = y * (1.5 - 0.5 * x * y * y)
    return y


def _body(ids_ref, tt_ref, word_ref, pos_ref, type_ref, gamma_ref, beta_ref,
          out_ref, idx_v, tt_v, wrows, obuf, posb, typeb, gv, bv, sem):
    tokens = ids_ref.shape[0]
    per_worker = tokens // NW
    nchunks = per_worker // CHUNK

    wid = lax.axis_index("s") * NUM_CORES + lax.axis_index("c")
    base = wid * per_worker

    pltpu.sync_copy(pos_ref.at[pl.ds(0, SEQ)], posb)
    pltpu.sync_copy(type_ref, typeb)
    pltpu.sync_copy(gamma_ref, gv)
    pltpu.sync_copy(beta_ref, bv)

    t0 = [typeb[0, pl.ds(h * LANES, LANES)] for h in range(HREGS)]
    t1 = [typeb[1, pl.ds(h * LANES, LANES)] for h in range(HREGS)]
    gvec = [gv[pl.ds(h * LANES, LANES)] for h in range(HREGS)]
    bvec = [bv[pl.ds(h * LANES, LANES)] for h in range(HREGS)]

    def do_chunk(k, carry):
        cbase = base + k * CHUNK
        pltpu.sync_copy(ids_ref.at[pl.ds(cbase, CHUNK)], idx_v)
        pltpu.sync_copy(tt_ref.at[pl.ds(cbase, CHUNK)], tt_v)
        pltpu.async_copy(word_ref.at[idx_v], wrows, sem).wait()

        def token(j, tcarry):
            l = lax.rem(k * CHUNK + j, SEQ)
            jj = jnp.full((LANES,), j, jnp.int32)
            tsel = plsc.load_gather(tt_v, [jj])
            pred = tsel > 0
            e = []
            for h in range(HREGS):
                w = wrows[j, pl.ds(h * LANES, LANES)]
                p = posb[l, pl.ds(h * LANES, LANES)]
                t = lax.select(pred, t1[h], t0[h])
                e.append(w + p + t)
            s = ((e[0] + e[1]) + (e[2] + e[3])) + ((e[4] + e[5]) + (e[6] + e[7]))
            total = jnp.sum(s)
            sq = [v * v for v in e]
            q = ((sq[0] + sq[1]) + (sq[2] + sq[3])) + ((sq[4] + sq[5]) + (sq[6] + sq[7]))
            totsq = jnp.sum(q)
            mean = total * (1.0 / HIDDEN)
            var = totsq * (1.0 / HIDDEN) - mean * mean
            minv = _rsqrt(jnp.broadcast_to(var + EPS, (LANES,)))
            mmean = jnp.broadcast_to(mean, (LANES,))
            for h in range(HREGS):
                a = minv * gvec[h]
                b = bvec[h] - mmean * a
                obuf[j, pl.ds(h * LANES, LANES)] = e[h] * a + b
            return tcarry

        lax.fori_loop(0, CHUNK, token, 0)
        pltpu.sync_copy(obuf, out_ref.at[pl.ds(cbase, CHUNK)])
        return carry

    lax.fori_loop(0, nchunks, do_chunk, 0)


def kernel(input_ids, token_type_ids, word_emb, pos_emb, type_emb, gamma, beta):
    B, L = input_ids.shape
    tokens = B * L
    ids_flat = input_ids.reshape(tokens).astype(jnp.int32)
    tt_flat = token_type_ids.reshape(tokens).astype(jnp.int32)

    mesh = plsc.VectorSubcoreMesh(
        core_axis_name="c", subcore_axis_name="s",
        num_cores=NUM_CORES, num_subcores=NUM_SUBCORES)
    run = pl.kernel(
        _body,
        out_type=jax.ShapeDtypeStruct((tokens, HIDDEN), jnp.float32),
        mesh=mesh,
        scratch_types=[
            pltpu.VMEM((CHUNK,), jnp.int32),
            pltpu.VMEM((CHUNK,), jnp.int32),
            pltpu.VMEM((CHUNK, HIDDEN), jnp.float32),
            pltpu.VMEM((CHUNK, HIDDEN), jnp.float32),
            pltpu.VMEM((SEQ, HIDDEN), jnp.float32),
            pltpu.VMEM((2, HIDDEN), jnp.float32),
            pltpu.VMEM((HIDDEN,), jnp.float32),
            pltpu.VMEM((HIDDEN,), jnp.float32),
            pltpu.SemaphoreType.DMA,
        ],
        compiler_params=pltpu.CompilerParams(needs_layout_passes=False),
    )
    out = run(ids_flat, tt_flat, word_emb, pos_emb, type_emb, gamma, beta)
    return out.reshape(B, L, HIDDEN)

# --- scband reference (transcript-rebuilt; emitter-appended) ---
"""Pipeline reference for scband-bert-embeddings-34600256537123 (READ-ONLY COPY).

The authoritative reference and input builder live on the scoring server;
editing this copy changes nothing except your own understanding.
"""

import jax, jax.numpy as jnp
import numpy as np

VOCAB = 100000
HIDDEN = 128
MAX_POS = 512
TYPE_VOCAB = 2
B, L = 1024, 200
EPS = 1e-12


def setup_inputs(seed: int = 0) -> dict:
    key = jax.random.key(seed)
    k1, k2, k3, k4, k5 = jax.random.split(key, 5)
    input_ids = jax.random.randint(k1, (B, L), 0, VOCAB)
    token_type_ids = jax.random.randint(k2, (B, L), 0, TYPE_VOCAB)
    word_emb = jax.random.normal(k3, (VOCAB, HIDDEN), dtype=jnp.float32) * 0.02
    pos_emb = jax.random.normal(k4, (MAX_POS, HIDDEN), dtype=jnp.float32) * 0.02
    type_emb = jax.random.normal(k5, (TYPE_VOCAB, HIDDEN), dtype=jnp.float32) * 0.02
    gamma = jnp.ones((HIDDEN,), dtype=jnp.float32)
    beta = jnp.zeros((HIDDEN,), dtype=jnp.float32)
    return {
        "input_ids": input_ids,
        "token_type_ids": token_type_ids,
        "word_emb": word_emb,
        "pos_emb": pos_emb,
        "type_emb": type_emb,
        "gamma": gamma,
        "beta": beta,
    }


def reference(input_ids, token_type_ids, word_emb, pos_emb, type_emb, gamma, beta):
    seq_len = input_ids.shape[1]
    position_ids = jnp.arange(seq_len)
    inputs_embeds = jnp.take(word_emb, input_ids, axis=0)
    position_embeddings = jnp.take(pos_emb, position_ids, axis=0)[None, :, :]
    token_type_embeddings = jnp.take(type_emb, token_type_ids, axis=0)
    embeddings = inputs_embeds + position_embeddings + token_type_embeddings
    mean = jnp.mean(embeddings, axis=-1, keepdims=True)
    var = jnp.mean(jnp.square(embeddings - mean), axis=-1, keepdims=True)
    normed = (embeddings - mean) / jnp.sqrt(var + EPS)
    out = normed * gamma + beta
    # dropout is identity in eval mode
    return out

if __name__ == "__main__":
    import jax
    _d = setup_inputs()
    print(jax.jit(kernel)(*tuple(_d.values())))

</pallas_src>

<mosaic_0001>
#map = affine_map<(d0, d1) -> (0)>
#map1 = affine_map<(d0, d1) -> (0, 0)>
module attributes {stable_mosaic.version = 14 : i64} {
  func.func @_body(%arg0: i32, %arg1: i32, %arg2: memref<204800xi32, #tpu.memory_space<hbm>>, %arg3: memref<204800xi32, #tpu.memory_space<hbm>>, %arg4: memref<100000x128xf32, #tpu.memory_space<hbm>>, %arg5: memref<512x128xf32, #tpu.memory_space<hbm>>, %arg6: memref<2x128xf32, #tpu.memory_space<hbm>>, %arg7: memref<128xf32, #tpu.memory_space<hbm>>, %arg8: memref<128xf32, #tpu.memory_space<hbm>>, %arg9: memref<204800x128xf32, #tpu.memory_space<hbm>>, %arg10: memref<128xi32, #tpu.memory_space<vmem>>, %arg11: memref<128xi32, #tpu.memory_space<vmem>>, %arg12: memref<128x128xf32, #tpu.memory_space<vmem>>, %arg13: memref<128x128xf32, #tpu.memory_space<vmem>>, %arg14: memref<200x128xf32, #tpu.memory_space<vmem>>, %arg15: memref<2x128xf32, #tpu.memory_space<vmem>>, %arg16: memref<128xf32, #tpu.memory_space<vmem>>, %arg17: memref<128xf32, #tpu.memory_space<vmem>>, %arg18: memref<!tpu.dma_semaphore, #tpu.memory_space<semaphore_mem>>) attributes {dimension_semantics = [#tpu.dimension_semantics<core_parallel>, #tpu.dimension_semantics<subcore_parallel>], iteration_bounds = array<i64: 2, 16>, scalar_prefetch = 0 : i64, scratch_operands = 9 : i64, tpu.core_type = #tpu.core_type<sc_vector_subcore>, window_params = [{transform_indices = #map}, {transform_indices = #map}, {transform_indices = #map1}, {transform_indices = #map1}, {transform_indices = #map1}, {transform_indices = #map}, {transform_indices = #map}, {transform_indices = #map1}]} {
    %mul3A = arith.constant 2 : i32
    %mul3A_0 = arith.muli %arg1, %mul3A : i32
    %add3A = arith.addi %mul3A_0, %arg0 : i32
    %mul3A_1 = arith.constant 6400 : i32
    %mul3A_2 = arith.muli %add3A, %mul3A_1 : i32
    "tpu.region"() ({
      %run_scoped3A = tpu.sem_alloc : memref<!tpu.dma_semaphore, #tpu.memory_space<semaphore_mem>>
      %dma_start3A = arith.constant 0 : i32
      %dma_start3A_103 = arith.constant 0 : i32
      %dma_start3A_104 = tpu.memref_slice %arg5[%dma_start3A, %dma_start3A_103] : memref<512x128xf32, #tpu.memory_space<hbm>> -> memref<200x128xf32, #tpu.memory_space<hbm>>
      %dma_start3A_105 = arith.constant 0 : i32
      %dma_start3A_106 = arith.constant 0 : i32
      %dma_start3A_107 = tpu.memref_slice %arg5[%dma_start3A_105, %dma_start3A_106] : memref<512x128xf32, #tpu.memory_space<hbm>> -> memref<200x128xf32, #tpu.memory_space<hbm>>
      tpu.enqueue_dma source(%dma_start3A_107 : memref<200x128xf32, #tpu.memory_space<hbm>>) target(%arg14 : memref<200x128xf32, #tpu.memory_space<vmem>>) target_semaphore(%run_scoped3A : memref<!tpu.dma_semaphore, #tpu.memory_space<semaphore_mem>>)
      %dma_wait3A = arith.constant 0 : i32
      %dma_wait3A_108 = arith.constant 0 : i32
      %dma_wait3A_109 = tpu.memref_slice %arg5[%dma_wait3A, %dma_wait3A_108] : memref<512x128xf32, #tpu.memory_space<hbm>> -> memref<200x128xf32, #tpu.memory_space<hbm>>
      %dma_wait3A_110 = arith.constant 0 : i32
      %dma_wait3A_111 = arith.constant 0 : i32
      %dma_wait3A_112 = tpu.memref_slice %arg5[%dma_wait3A_110, %dma_wait3A_111] : memref<512x128xf32, #tpu.memory_space<hbm>> -> memref<200x128xf32, #tpu.memory_space<hbm>>
      tpu.wait_dma2 semaphore(%run_scoped3A : memref<!tpu.dma_semaphore, #tpu.memory_space<semaphore_mem>>) src(%dma_wait3A_112 : memref<200x128xf32, #tpu.memory_space<hbm>>) dst(%arg14 : memref<200x128xf32, #tpu.memory_space<vmem>>)
      tpu.yield
    }) : () -> ()
    "tpu.region"() ({
      %run_scoped3A = tpu.sem_alloc : memref<!tpu.dma_semaphore, #tpu.memory_space<semaphore_mem>>
      tpu.enqueue_dma source(%arg6 : memref<2x128xf32, #tpu.memory_space<hbm>>) target(%arg15 : memref<2x128xf32, #tpu.memory_space<vmem>>) target_semaphore(%run_scoped3A : memref<!tpu.dma_semaphore, #tpu.memory_space<semaphore_mem>>)
      tpu.wait_dma2 semaphore(%run_scoped3A : memref<!tpu.dma_semaphore, #tpu.memory_space<semaphore_mem>>) src(%arg6 : memref<2x128xf32, #tpu.memory_space<hbm>>) dst(%arg15 : memref<2x128xf32, #tpu.memory_space<vmem>>)
      tpu.yield
    }) : () -> ()
    "tpu.region"() ({
      %run_scoped3A = tpu.sem_alloc : memref<!tpu.dma_semaphore, #tpu.memory_space<semaphore_mem>>
      tpu.enqueue_dma source(%arg7 : memref<128xf32, #tpu.memory_space<hbm>>) target(%arg16 : memref<128xf32, #tpu.memory_space<vmem>>) target_semaphore(%run_scoped3A : memref<!tpu.dma_semaphore, #tpu.memory_space<semaphore_mem>>)
      tpu.wait_dma2 semaphore(%run_scoped3A : memref<!tpu.dma_semaphore, #tpu.memory_space<semaphore_mem>>) src(%arg7 : memref<128xf32, #tpu.memory_space<hbm>>) dst(%arg16 : memref<128xf32, #tpu.memory_space<vmem>>)
      tpu.yield
    }) : () -> ()
    "tpu.region"() ({
      %run_scoped3A = tpu.sem_alloc : memref<!tpu.dma_semaphore, #tpu.memory_space<semaphore_mem>>
      tpu.enqueue_dma source(%arg8 : memref<128xf32, #tpu.memory_space<hbm>>) target(%arg17 : memref<128xf32, #tpu.memory_space<vmem>>) target_semaphore(%run_scoped3A : memref<!tpu.dma_semaphore, #tpu.memory_space<semaphore_mem>>)
      tpu.wait_dma2 semaphore(%run_scoped3A : memref<!tpu.dma_semaphore, #tpu.memory_space<semaphore_mem>>) src(%arg8 : memref<128xf32, #tpu.memory_space<hbm>>) dst(%arg17 : memref<128xf32, #tpu.memory_space<vmem>>)
      tpu.yield
    }) : () -> ()
    %get3A = arith.constant 0 : i32
    %get3A_3 = arith.index_cast %get3A : i32 to index
    %get3A_4 = arith.constant 0 : index
    %get3A_5 = tpu.vector_load %arg15[%get3A_3, %get3A_4] {strides = array<i32>} : memref<2x128xf32, #tpu.memory_space<vmem>>, vector<16xf32>,
    %get3A_6 = arith.constant 0 : i32
    %get3A_7 = arith.index_cast %get3A_6 : i32 to index
    %get3A_8 = arith.constant 16 : index
    %get3A_9 = tpu.vector_load %arg15[%get3A_7, %get3A_8] {strides = array<i32>} : memref<2x128xf32, #tpu.memory_space<vmem>>, vector<16xf32>,
    %get3A_10 = arith.constant 0 : i32
    %get3A_11 = arith.index_cast %get3A_10 : i32 to index
    %get3A_12 = arith.constant 32 : index
    %get3A_13 = tpu.vector_load %arg15[%get3A_11, %get3A_12] {strides = array<i32>} : memref<2x128xf32, #tpu.memory_space<vmem>>, vector<16xf32>,
    %get3A_14 = arith.constant 0 : i32
    %get3A_15 = arith.index_cast %get3A_14 : i32 to index
    %get3A_16 = arith.constant 48 : index
    %get3A_17 = tpu.vector_load %arg15[%get3A_15, %get3A_16] {strides = array<i32>} : memref<2x128xf32, #tpu.memory_space<vmem>>, vector<16xf32>,
    %get3A_18 = arith.constant 0 : i32
    %get3A_19 = arith.index_cast %get3A_18 : i32 to index
    %get3A_20 = arith.constant 64 : index
    %get3A_21 = tpu.vector_load %arg15[%get3A_19, %get3A_20] {strides = array<i32>} : memref<2x128xf32, #tpu.memory_space<vmem>>, vector<16xf32>,
    %get3A_22 = arith.constant 0 : i32
    %get3A_23 = arith.index_cast %get3A_22 : i32 to index
    %get3A_24 = arith.constant 80 : index
    %get3A_25 = tpu.vector_load %arg15[%get3A_23, %get3A_24] {strides = array<i32>} : memref<2x128xf32, #tpu.memory_space<vmem>>, vector<16xf32>,
    %get3A_26 = arith.constant 0 : i32
    %get3A_27 = arith.index_cast %get3A_26 : i32 to index
    %get3A_28 = arith.constant 96 : index
    %get3A_29 = tpu.vector_load %arg15[%get3A_27, %get3A_28] {strides = array<i32>} : memref<2x128xf32, #tpu.memory_space<vmem>>, vector<16xf32>,
    %get3A_30 = arith.constant 0 : i32
    %get3A_31 = arith.index_cast %get3A_30 : i32 to index
    %get3A_32 = arith.constant 112 : index
    %get3A_33 = tpu.vector_load %arg15[%get3A_31, %get3A_32] {strides = array<i32>} : memref<2x128xf32, #tpu.memory_space<vmem>>, vector<16xf32>,
    %get3A_34 = arith.constant 1 : i32
    %get3A_35 = arith.index_cast %get3A_34 : i32 to index
    %get3A_36 = arith.constant 0 : index
    %get3A_37 = tpu.vector_load %arg15[%get3A_35, %get3A_36] {strides = array<i32>} : memref<2x128xf32, #tpu.memory_space<vmem>>, vector<16xf32>,
    %get3A_38 = arith.constant 1 : i32
    %get3A_39 = arith.index_cast %get3A_38 : i32 to index
    %get3A_40 = arith.constant 16 : index
    %get3A_41 = tpu.vector_load %arg15[%get3A_39, %get3A_40] {strides = array<i32>} : memref<2x128xf32, #tpu.memory_space<vmem>>, vector<16xf32>,
    %get3A_42 = arith.constant 1 : i32
    %get3A_43 = arith.index_cast %get3A_42 : i32 to index
    %get3A_44 = arith.constant 32 : index
    %get3A_45 = tpu.vector_load %arg15[%get3A_43, %get3A_44] {strides = array<i32>} : memref<2x128xf32, #tpu.memory_space<vmem>>, vector<16xf32>,
    %get3A_46 = arith.constant 1 : i32
    %get3A_47 = arith.index_cast %get3A_46 : i32 to index
    %get3A_48 = arith.constant 48 : index
    %get3A_49 = tpu.vector_load %arg15[%get3A_47, %get3A_48] {strides = array<i32>} : memref<2x128xf32, #tpu.memory_space<vmem>>, vector<16xf32>,
    %get3A_50 = arith.constant 1 : i32
    %get3A_51 = arith.index_cast %get3A_50 : i32 to index
    %get3A_52 = arith.constant 64 : index
    %get3A_53 = tpu.vector_load %arg15[%get3A_51, %get3A_52] {strides = array<i32>} : memref<2x128xf32, #tpu.memory_space<vmem>>, vector<16xf32>,
    %get3A_54 = arith.constant 1 : i32
    %get3A_55 = arith.index_cast %get3A_54 : i32 to index
    %get3A_56 = arith.constant 80 : index
    %get3A_57 = tpu.vector_load %arg15[%get3A_55, %get3A_56] {strides = array<i32>} : memref<2x128xf32, #tpu.memory_space<vmem>>, vector<16xf32>,
    %get3A_58 = arith.constant 1 : i32
    %get3A_59 = arith.index_cast %get3A_58 : i32 to index
    %get3A_60 = arith.constant 96 : index
    %get3A_61 = tpu.vector_load %arg15[%get3A_59, %get3A_60] {strides = array<i32>} : memref<2x128xf32, #tpu.memory_space<vmem>>, vector<16xf32>,
    %get3A_62 = arith.constant 1 : i32
    %get3A_63 = arith.index_cast %get3A_62 : i32 to index
    %get3A_64 = arith.constant 112 : index
    %get3A_65 = tpu.vector_load %arg15[%get3A_63, %get3A_64] {strides = array<i32>} : memref<2x128xf32, #tpu.memory_space<vmem>>, vector<16xf32>,
    %get3A_66 = arith.constant 0 : index
    %get3A_67 = tpu.vector_load %arg16[%get3A_66] {strides = array<i32>} : memref<128xf32, #tpu.memory_space<vmem>>, vector<16xf32>,
    %get3A_68 = arith.constant 16 : index
    %get3A_69 = tpu.vector_load %arg16[%get3A_68] {strides = array<i32>} : memref<128xf32, #tpu.memory_space<vmem>>, vector<16xf32>,
    %get3A_70 = arith.constant 32 : index
    %get3A_71 = tpu.vector_load %arg16[%get3A_70] {strides = array<i32>} : memref<128xf32, #tpu.memory_space<vmem>>, vector<16xf32>,
    %get3A_72 = arith.constant 48 : index
    %get3A_73 = tpu.vector_load %arg16[%get3A_72] {strides = array<i32>} : memref<128xf32, #tpu.memory_space<vmem>>, vector<16xf32>,
    %get3A_74 = arith.constant 64 : index
    %get3A_75 = tpu.vector_load %arg16[%get3A_74] {strides = array<i32>} : memref<128xf32, #tpu.memory_space<vmem>>, vector<16xf32>,
    %get3A_76 = arith.constant 80 : index
    %get3A_77 = tpu.vector_load %arg16[%get3A_76] {strides = array<i32>} : memref<128xf32, #tpu.memory_space<vmem>>, vector<16xf32>,
    %get3A_78 = arith.constant 96 : index
    %get3A_79 = tpu.vector_load %arg16[%get3A_78] {strides = array<i32>} : memref<128xf32, #tpu.memory_space<vmem>>, vector<16xf32>,
    %get3A_80 = arith.constant 112 : index
    %get3A_81 = tpu.vector_load %arg16[%get3A_80] {strides = array<i32>} : memref<128xf32, #tpu.memory_space<vmem>>, vector<16xf32>,
    %get3A_82 = arith.constant 0 : index
    %get3A_83 = tpu.vector_load %arg17[%get3A_82] {strides = array<i32>} : memref<128xf32, #tpu.memory_space<vmem>>, vector<16xf32>,
    %get3A_84 = arith.constant 16 : index
    %get3A_85 = tpu.vector_load %arg17[%get3A_84] {strides = array<i32>} : memref<128xf32, #tpu.memory_space<vmem>>, vector<16xf32>,
    %get3A_86 = arith.constant 32 : index
    %get3A_87 = tpu.vector_load %arg17[%get3A_86] {strides = array<i32>} : memref<128xf32, #tpu.memory_space<vmem>>, vector<16xf32>,
    %get3A_88 = arith.constant 48 : index
    %get3A_89 = tpu.vector_load %arg17[%get3A_88] {strides = array<i32>} : memref<128xf32, #tpu.memory_space<vmem>>, vector<16xf32>,
    %get3A_90 = arith.constant 64 : index
    %get3A_91 = tpu.vector_load %arg17[%get3A_90] {strides = array<i32>} : memref<128xf32, #tpu.memory_space<vmem>>, vector<16xf32>,
    %get3A_92 = arith.constant 80 : index
    %get3A_93 = tpu.vector_load %arg17[%get3A_92] {strides = array<i32>} : memref<128xf32, #tpu.memory_space<vmem>>, vector<16xf32>,
    %get3A_94 = arith.constant 96 : index
    %get3A_95 = tpu.vector_load %arg17[%get3A_94] {strides = array<i32>} : memref<128xf32, #tpu.memory_space<vmem>>, vector<16xf32>,
    %get3A_96 = arith.constant 112 : index
    %get3A_97 = tpu.vector_load %arg17[%get3A_96] {strides = array<i32>} : memref<128xf32, #tpu.memory_space<vmem>>, vector<16xf32>,
    %scan3A = arith.constant 0 : i32
    %scan3A_98 = arith.constant 0 : i32
    %scan3A_99 = arith.constant 50 : i32
    %scan3A_100 = arith.addi %scan3A_98, %scan3A_99 : i32
    %scan3A_101 = arith.constant 1 : i32
    scf.for %scan3A_103 = %scan3A_98 to %scan3A_100 step %scan3A_101  : i32 {
      %mul3A_104 = arith.constant 128 : i32
      %mul3A_105 = arith.muli %scan3A_103, %mul3A_104 : i32
      %add3A_106 = arith.addi %mul3A_2, %mul3A_105 : i32
      "tpu.region"() ({
        %run_scoped3A = tpu.sem_alloc : memref<!tpu.dma_semaphore, #tpu.memory_space<semaphore_mem>>
        %dma_start3A_117 = tpu.memref_slice %arg2[%add3A_106] : memref<204800xi32, #tpu.memory_space<hbm>> -> memref<128xi32, #tpu.memory_space<hbm>>
        %dma_start3A_118 = tpu.memref_slice %arg2[%add3A_106] : memref<204800xi32, #tpu.memory_space<hbm>> -> memref<128xi32, #tpu.memory_space<hbm>>
        tpu.enqueue_dma source(%dma_start3A_118 : memref<128xi32, #tpu.memory_space<hbm>>) target(%arg10 : memref<128xi32, #tpu.memory_space<vmem>>) target_semaphore(%run_scoped3A : memref<!tpu.dma_semaphore, #tpu.memory_space<semaphore_mem>>)
        %dma_wait3A_119 = tpu.memref_slice %arg2[%add3A_106] : memref<204800xi32, #tpu.memory_space<hbm>> -> memref<128xi32, #tpu.memory_space<hbm>>
        %dma_wait3A_120 = tpu.memref_slice %arg2[%add3A_106] : memref<204800xi32, #tpu.memory_space<hbm>> -> memref<128xi32, #tpu.memory_space<hbm>>
        tpu.wait_dma2 semaphore(%run_scoped3A : memref<!tpu.dma_semaphore, #tpu.memory_space<semaphore_mem>>) src(%dma_wait3A_120 : memref<128xi32, #tpu.memory_space<hbm>>) dst(%arg10 : memref<128xi32, #tpu.memory_space<vmem>>)
        tpu.yield
      }) : () -> ()
      "tpu.region"() ({
        %run_scoped3A = tpu.sem_alloc : memref<!tpu.dma_semaphore, #tpu.memory_space<semaphore_mem>>
        %dma_start3A_117 = tpu.memref_slice %arg3[%add3A_106] : memref<204800xi32, #tpu.memory_space<hbm>> -> memref<128xi32, #tpu.memory_space<hbm>>
        %dma_start3A_118 = tpu.memref_slice %arg3[%add3A_106] : memref<204800xi32, #tpu.memory_space<hbm>> -> memref<128xi32, #tpu.memory_space<hbm>>
        tpu.enqueue_dma source(%dma_start3A_118 : memref<128xi32, #tpu.memory_space<hbm>>) target(%arg11 : memref<128xi32, #tpu.memory_space<vmem>>) target_semaphore(%run_scoped3A : memref<!tpu.dma_semaphore, #tpu.memory_space<semaphore_mem>>)
        %dma_wait3A_119 = tpu.memref_slice %arg3[%add3A_106] : memref<204800xi32, #tpu.memory_space<hbm>> -> memref<128xi32, #tpu.memory_space<hbm>>
        %dma_wait3A_120 = tpu.memref_slice %arg3[%add3A_106] : memref<204800xi32, #tpu.memory_space<hbm>> -> memref<128xi32, #tpu.memory_space<hbm>>
        tpu.wait_dma2 semaphore(%run_scoped3A : memref<!tpu.dma_semaphore, #tpu.memory_space<semaphore_mem>>) src(%dma_wait3A_120 : memref<128xi32, #tpu.memory_space<hbm>>) dst(%arg11 : memref<128xi32, #tpu.memory_space<vmem>>)
        tpu.yield
      }) : () -> ()
      %dma_start3A = arith.constant 0 : i32
      %dma_start3A_107 = arith.constant 0 : i32
      %dma_start3A_108 = tpu.memref_slice %arg4[%dma_start3A, %dma_start3A_107] : memref<100000x128xf32, #tpu.memory_space<hbm>> -> memref<100000x128xf32, #tpu.memory_space<hbm>>
      tpu.enqueue_indirect_dma source(%dma_start3A_108 : memref<100000x128xf32, #tpu.memory_space<hbm>>) target(%arg12 : memref<128x128xf32, #tpu.memory_space<vmem>>) offsets(%arg10 : memref<128xi32, #tpu.memory_space<vmem>>) semaphore(%arg18 : memref<!tpu.dma_semaphore, #tpu.memory_space<semaphore_mem>>)
      %dma_wait3A = arith.constant 0 : i32
      %dma_wait3A_109 = arith.constant 0 : i32
      %dma_wait3A_110 = tpu.memref_slice %arg4[%dma_wait3A, %dma_wait3A_109] : memref<100000x128xf32, #tpu.memory_space<hbm>> -> memref<100000x128xf32, #tpu.memory_space<hbm>>
      tpu.wait_indirect_dma semaphore(%arg18 : memref<!tpu.dma_semaphore, #tpu.memory_space<semaphore_mem>>) src(%dma_wait3A_110 : memref<100000x128xf32, #tpu.memory_space<hbm>>) dst(%arg12 : memref<128x128xf32, #tpu.memory_space<vmem>>)
      %scan3A_111 = arith.constant 0 : i32
      %scan3A_112 = arith.constant 0 : i32
      %scan3A_113 = arith.constant 128 : i32
      %scan3A_114 = arith.addi %scan3A_112, %scan3A_113 : i32
      %scan3A_115 = arith.constant 1 : i32
      scf.for %scan3A_117 = %scan3A_112 to %scan3A_114 step %scan3A_115  : i32 {
        %mul3A_118 = arith.constant 128 : i32
        %mul3A_119 = arith.muli %scan3A_103, %mul3A_118 : i32
        %add3A_120 = arith.addi %mul3A_119, %scan3A_117 : i32
        %rem3A = arith.constant 200 : i32
        %rem3A_121 = arith.remsi %add3A_120, %rem3A : i32
        %broadcast_in_dim3A = vector.broadcast %scan3A_117 : i32 to vector<16xi32>
        %gather3A = tpu.vector_load_idx %arg11[%broadcast_in_dim3A] : memref<128xi32, #tpu.memory_space<vmem>>[vector<16xi32>], vector<16xi32>,
        %gt3A = arith.constant 0 : i32
        %gt3A_122 = vector.broadcast %gt3A : i32 to vector<16xi32>
        %gt3A_123 = arith.cmpi sgt, %gather3A, %gt3A_122 : vector<16xi32>
        %get3A_124 = arith.index_cast %scan3A_117 : i32 to index
        %get3A_125 = arith.constant 0 : index
        %get3A_126 = tpu.vector_load %arg12[%get3A_124, %get3A_125] {strides = array<i32>} : memref<128x128xf32, #tpu.memory_space<vmem>>, vector<16xf32>,
        %get3A_127 = arith.index_cast %rem3A_121 : i32 to index
        %get3A_128 = arith.constant 0 : index
        %get3A_129 = tpu.vector_load %arg14[%get3A_127, %get3A_128] {strides = array<i32>} : memref<200x128xf32, #tpu.memory_space<vmem>>, vector<16xf32>,
        %select_n3A = arith.select %gt3A_123, %get3A_37, %get3A_5 : vector<16xi1>, vector<16xf32>
        %add3A_130 = arith.addf %get3A_126, %get3A_129 : vector<16xf32>
        %add3A_131 = arith.addf %add3A_130, %select_n3A : vector<16xf32>
        %get3A_132 = arith.index_cast %scan3A_117 : i32 to index
        %get3A_133 = arith.constant 16 : index
        %get3A_134 = tpu.vector_load %arg12[%get3A_132, %get3A_133] {strides = array<i32>} : memref<128x128xf32, #tpu.memory_space<vmem>>, vector<16xf32>,
        %get3A_135 = arith.index_cast %rem3A_121 : i32 to index
        %get3A_136 = arith.constant 16 : index
        %get3A_137 = tpu.vector_load %arg14[%get3A_135, %get3A_136] {strides = array<i32>} : memref<200x128xf32, #tpu.memory_space<vmem>>, vector<16xf32>,
        %select_n3A_138 = arith.select %gt3A_123, %get3A_41, %get3A_9 : vector<16xi1>, vector<16xf32>
        %add3A_139 = arith.addf %get3A_134, %get3A_137 : vector<16xf32>
        %add3A_140 = arith.addf %add3A_139, %select_n3A_138 : vector<16xf32>
        %get3A_141 = arith.index_cast %scan3A_117 : i32 to index
        %get3A_142 = arith.constant 32 : index
        %get3A_143 = tpu.vector_load %arg12[%get3A_141, %get3A_142] {strides = array<i32>} : memref<128x128xf32, #tpu.memory_space<vmem>>, vector<16xf32>,
        %get3A_144 = arith.index_cast %rem3A_121 : i32 to index
        %get3A_145 = arith.constant 32 : index
        %get3A_146 = tpu.vector_load %arg14[%get3A_144, %get3A_145] {strides = array<i32>} : memref<200x128xf32, #tpu.memory_space<vmem>>, vector<16xf32>,
        %select_n3A_147 = arith.select %gt3A_123, %get3A_45, %get3A_13 : vector<16xi1>, vector<16xf32>
        %add3A_148 = arith.addf %get3A_143, %get3A_146 : vector<16xf32>
        %add3A_149 = arith.addf %add3A_148, %select_n3A_147 : vector<16xf32>
        %get3A_150 = arith.index_cast %scan3A_117 : i32 to index
        %get3A_151 = arith.constant 48 : index
        %get3A_152 = tpu.vector_load %arg12[%get3A_150, %get3A_151] {strides = array<i32>} : memref<128x128xf32, #tpu.memory_space<vmem>>, vector<16xf32>,
        %get3A_153 = arith.index_cast %rem3A_121 : i32 to index
        %get3A_154 = arith.constant 48 : index
        %get3A_155 = tpu.vector_load %arg14[%get3A_153, %get3A_154] {strides = array<i32>} : memref<200x128xf32, #tpu.memory_space<vmem>>, vector<16xf32>,
        %select_n3A_156 = arith.select %gt3A_123, %get3A_49, %get3A_17 : vector<16xi1>, vector<16xf32>
        %add3A_157 = arith.addf %get3A_152, %get3A_155 : vector<16xf32>
        %add3A_158 = arith.addf %add3A_157, %select_n3A_156 : vector<16xf32>
        %get3A_159 = arith.index_cast %scan3A_117 : i32 to index
        %get3A_160 = arith.constant 64 : index
        %get3A_161 = tpu.vector_load %arg12[%get3A_159, %get3A_160] {strides = array<i32>} : memref<128x128xf32, #tpu.memory_space<vmem>>, vector<16xf32>,
        %get3A_162 = arith.index_cast %rem3A_121 : i32 to index
        %get3A_163 = arith.constant 64 : index
        %get3A_164 = tpu.vector_load %arg14[%get3A_162, %get3A_163] {strides = array<i32>} : memref<200x128xf32, #tpu.memory_space<vmem>>, vector<16xf32>,
        %select_n3A_165 = arith.select %gt3A_123, %get3A_53, %get3A_21 : vector<16xi1>, vector<16xf32>
        %add3A_166 = arith.addf %get3A_161, %get3A_164 : vector<16xf32>
        %add3A_167 = arith.addf %add3A_166, %select_n3A_165 : vector<16xf32>
        %get3A_168 = arith.index_cast %scan3A_117 : i32 to index
        %get3A_169 = arith.constant 80 : index
        %get3A_170 = tpu.vector_load %arg12[%get3A_168, %get3A_169] {strides = array<i32>} : memref<128x128xf32, #tpu.memory_space<vmem>>, vector<16xf32>,
        %get3A_171 = arith.index_cast %rem3A_121 : i32 to index
        %get3A_172 = arith.constant 80 : index
        %get3A_173 = tpu.vector_load %arg14[%get3A_171, %get3A_172] {strides = array<i32>} : memref<200x128xf32, #tpu.memory_space<vmem>>, vector<16xf32>,
        %select_n3A_174 = arith.select %gt3A_123, %get3A_57, %get3A_25 : vector<16xi1>, vector<16xf32>
        %add3A_175 = arith.addf %get3A_170, %get3A_173 : vector<16xf32>
        %add3A_176 = arith.addf %add3A_175, %select_n3A_174 : vector<16xf32>
        %get3A_177 = arith.index_cast %scan3A_117 : i32 to index
        %get3A_178 = arith.constant 96 : index
        %get3A_179 = tpu.vector_load %arg12[%get3A_177, %get3A_178] {strides = array<i32>} : memref<128x128xf32, #tpu.memory_space<vmem>>, vector<16xf32>,
        %get3A_180 = arith.index_cast %rem3A_121 : i32 to index
        %get3A_181 = arith.constant 96 : index
        %get3A_182 = tpu.vector_load %arg14[%get3A_180, %get3A_181] {strides = array<i32>} : memref<200x128xf32, #tpu.memory_space<vmem>>, vector<16xf32>,
        %select_n3A_183 = arith.select %gt3A_123, %get3A_61, %get3A_29 : vector<16xi1>, vector<16xf32>
        %add3A_184 = arith.addf %get3A_179, %get3A_182 : vector<16xf32>
        %add3A_185 = arith.addf %add3A_184, %select_n3A_183 : vector<16xf32>
        %get3A_186 = arith.index_cast %scan3A_117 : i32 to index
        %get3A_187 = arith.constant 112 : index
        %get3A_188 = tpu.vector_load %arg12[%get3A_186, %get3A_187] {strides = array<i32>} : memref<128x128xf32, #tpu.memory_space<vmem>>, vector<16xf32>,
        %get3A_189 = arith.index_cast %rem3A_121 : i32 to index
        %get3A_190 = arith.constant 112 : index
        %get3A_191 = tpu.vector_load %arg14[%get3A_189, %get3A_190] {strides = array<i32>} : memref<200x128xf32, #tpu.memory_space<vmem>>, vector<16xf32>,
        %select_n3A_192 = arith.select %gt3A_123, %get3A_65, %get3A_33 : vector<16xi1>, vector<16xf32>
        %add3A_193 = arith.addf %get3A_188, %get3A_191 : vector<16xf32>
        %add3A_194 = arith.addf %add3A_193, %select_n3A_192 : vector<16xf32>
        %add3A_195 = arith.addf %add3A_131, %add3A_140 : vector<16xf32>
        %add3A_196 = arith.addf %add3A_149, %add3A_158 : vector<16xf32>
        %add3A_197 = arith.addf %add3A_195, %add3A_196 : vector<16xf32>
        %add3A_198 = arith.addf %add3A_167, %add3A_176 : vector<16xf32>
        %add3A_199 = arith.addf %add3A_185, %add3A_194 : vector<16xf32>
        %add3A_200 = arith.addf %add3A_198, %add3A_199 : vector<16xf32>
        %add3A_201 = arith.addf %add3A_197, %add3A_200 : vector<16xf32>
        %reduce_sum3A = arith.constant true
        %reduce_sum3A_202 = vector.broadcast %reduce_sum3A : i1 to vector<16xi1>
        %reduce_sum3A_203 = tpu.scan <sum>, %add3A_201 masked %reduce_sum3A_202 : vector<16xf32>, vector<16xi1> -> vector<16xf32>
        %reduce_sum3A_204 = vector.extract %reduce_sum3A_203[15] : f32 from vector<16xf32>
        %mul3A_205 = arith.mulf %add3A_131, %add3A_131 : vector<16xf32>
        %mul3A_206 = arith.mulf %add3A_140, %add3A_140 : vector<16xf32>
        %mul3A_207 = arith.mulf %add3A_149, %add3A_149 : vector<16xf32>
        %mul3A_208 = arith.mulf %add3A_158, %add3A_158 : vector<16xf32>
        %mul3A_209 = arith.mulf %add3A_167, %add3A_167 : vector<16xf32>
        %mul3A_210 = arith.mulf %add3A_176, %add3A_176 : vector<16xf32>
        %mul3A_211 = arith.mulf %add3A_185, %add3A_185 : vector<16xf32>
        %mul3A_212 = arith.mulf %add3A_194, %add3A_194 : vector<16xf32>
        %add3A_213 = arith.addf %mul3A_205, %mul3A_206 : vector<16xf32>
        %add3A_214 = arith.addf %mul3A_207, %mul3A_208 : vector<16xf32>
        %add3A_215 = arith.addf %add3A_213, %add3A_214 : vector<16xf32>
        %add3A_216 = arith.addf %mul3A_209, %mul3A_210 : vector<16xf32>
        %add3A_217 = arith.addf %mul3A_211, %mul3A_212 : vector<16xf32>
        %add3A_218 = arith.addf %add3A_216, %add3A_217 : vector<16xf32>
        %add3A_219 = arith.addf %add3A_215, %add3A_218 : vector<16xf32>
        %reduce_sum3A_220 = arith.constant true
        %reduce_sum3A_221 = vector.broadcast %reduce_sum3A_220 : i1 to vector<16xi1>
        %reduce_sum3A_222 = tpu.scan <sum>, %add3A_219 masked %reduce_sum3A_221 : vector<16xf32>, vector<16xi1> -> vector<16xf32>
        %reduce_sum3A_223 = vector.extract %reduce_sum3A_222[15] : f32 from vector<16xf32>
        %mul3A_224 = arith.constant 7.812500e-03 : f32
        %mul3A_225 = arith.mulf %reduce_sum3A_204, %mul3A_224 : f32
        %mul3A_226 = arith.constant 7.812500e-03 : f32
        %mul3A_227 = arith.mulf %reduce_sum3A_223, %mul3A_226 : f32
        %mul3A_228 = arith.mulf %mul3A_225, %mul3A_225 : f32
        %sub3A = arith.subf %mul3A_227, %mul3A_228 : f32
        %add3A_229 = arith.constant 9.99999996E-13 : f32
        %add3A_230 = arith.addf %sub3A, %add3A_229 : f32
        %broadcast_in_dim3A_231 = vector.broadcast %add3A_230 : f32 to vector<16xf32>
        %bitcast3A = vector.bitcast %broadcast_in_dim3A_231 : vector<16xf32> to vector<16xi32>
        %shift_right_arithmetic3A = arith.constant 1 : i32
        %shift_right_arithmetic3A_232 = vector.broadcast %shift_right_arithmetic3A : i32 to vector<16xi32>
        %shift_right_arithmetic3A_233 = arith.shrsi %bitcast3A, %shift_right_arithmetic3A_232 : vector<16xi32>
        %sub3A_234 = arith.constant 1597463007 : i32
        %sub3A_235 = vector.broadcast %sub3A_234 : i32 to vector<16xi32>
        %sub3A_236 = arith.subi %sub3A_235, %shift_right_arithmetic3A_233 : vector<16xi32>
        %bitcast3A_237 = vector.bitcast %sub3A_236 : vector<16xi32> to vector<16xf32>
        %mul3A_238 = arith.constant 5.000000e-01 : f32
        %mul3A_239 = vector.broadcast %mul3A_238 : f32 to vector<16xf32>
        %mul3A_240 = arith.mulf %mul3A_239, %broadcast_in_dim3A_231 : vector<16xf32>
        %mul3A_241 = arith.mulf %mul3A_240, %bitcast3A_237 : vector<16xf32>
        %mul3A_242 = arith.mulf %mul3A_241, %bitcast3A_237 : vector<16xf32>
        %sub3A_243 = arith.constant 1.500000e+00 : f32
        %sub3A_244 = vector.broadcast %sub3A_243 : f32 to vector<16xf32>
        %sub3A_245 = arith.subf %sub3A_244, %mul3A_242 : vector<16xf32>
        %mul3A_246 = arith.mulf %bitcast3A_237, %sub3A_245 : vector<16xf32>
        %mul3A_247 = arith.constant 5.000000e-01 : f32
        %mul3A_248 = vector.broadcast %mul3A_247 : f32 to vector<16xf32>
        %mul3A_249 = arith.mulf %mul3A_248, %broadcast_in_dim3A_231 : vector<16xf32>
        %mul3A_250 = arith.mulf %mul3A_249, %mul3A_246 : vector<16xf32>
        %mul3A_251 = arith.mulf %mul3A_250, %mul3A_246 : vector<16xf32>
        %sub3A_252 = arith.constant 1.500000e+00 : f32
        %sub3A_253 = vector.broadcast %sub3A_252 : f32 to vector<16xf32>
        %sub3A_254 = arith.subf %sub3A_253, %mul3A_251 : vector<16xf32>
        %mul3A_255 = arith.mulf %mul3A_246, %sub3A_254 : vector<16xf32>
        %mul3A_256 = arith.constant 5.000000e-01 : f32
        %mul3A_257 = vector.broadcast %mul3A_256 : f32 to vector<16xf32>
        %mul3A_258 = arith.mulf %mul3A_257, %broadcast_in_dim3A_231 : vector<16xf32>
        %mul3A_259 = arith.mulf %mul3A_258, %mul3A_255 : vector<16xf32>
        %mul3A_260 = arith.mulf %mul3A_259, %mul3A_255 : vector<16xf32>
        %sub3A_261 = arith.constant 1.500000e+00 : f32
        %sub3A_262 = vector.broadcast %sub3A_261 : f32 to vector<16xf32>
        %sub3A_263 = arith.subf %sub3A_262, %mul3A_260 : vector<16xf32>
        %mul3A_264 = arith.mulf %mul3A_255, %sub3A_263 : vector<16xf32>
        %broadcast_in_dim3A_265 = vector.broadcast %mul3A_225 : f32 to vector<16xf32>
        %mul3A_266 = arith.mulf %mul3A_264, %get3A_67 : vector<16xf32>
        %mul3A_267 = arith.mulf %broadcast_in_dim3A_265, %mul3A_266 : vector<16xf32>
        %sub3A_268 = arith.subf %get3A_83, %mul3A_267 : vector<16xf32>
        %mul3A_269 = arith.mulf %add3A_131, %mul3A_266 : vector<16xf32>
        %add3A_270 = arith.addf %mul3A_269, %sub3A_268 : vector<16xf32>
        %swap3A = arith.index_cast %scan3A_117 : i32 to index
        %swap3A_271 = arith.constant 0 : index
        %swap3A_272 = tpu.vector_load %arg13[%swap3A, %swap3A_271] {strides = array<i32>} : memref<128x128xf32, #tpu.memory_space<vmem>>, vector<16xf32>,
        tpu.vector_store %arg13[%swap3A, %swap3A_271], %add3A_270 {strides = array<i32>} : memref<128x128xf32, #tpu.memory_space<vmem>>, vector<16xf32>,
        %mul3A_273 = arith.mulf %mul3A_264, %get3A_69 : vector<16xf32>
        %mul3A_274 = arith.mulf %broadcast_in_dim3A_265, %mul3A_273 : vector<16xf32>
        %sub3A_275 = arith.subf %get3A_85, %mul3A_274 : vector<16xf32>
        %mul3A_276 = arith.mulf %add3A_140, %mul3A_273 : vector<16xf32>
        %add3A_277 = arith.addf %mul3A_276, %sub3A_275 : vector<16xf32>
        %swap3A_278 = arith.index_cast %scan3A_117 : i32 to index
        %swap3A_279 = arith.constant 16 : index
        %swap3A_280 = tpu.vector_load %arg13[%swap3A_278, %swap3A_279] {strides = array<i32>} : memref<128x128xf32, #tpu.memory_space<vmem>>, vector<16xf32>,
        tpu.vector_store %arg13[%swap3A_278, %swap3A_279], %add3A_277 {strides = array<i32>} : memref<128x128xf32, #tpu.memory_space<vmem>>, vector<16xf32>,
        %mul3A_281 = arith.mulf %mul3A_264, %get3A_71 : vector<16xf32>
        %mul3A_282 = arith.mulf %broadcast_in_dim3A_265, %mul3A_281 : vector<16xf32>
        %sub3A_283 = arith.subf %get3A_87, %mul3A_282 : vector<16xf32>
        %mul3A_284 = arith.mulf %add3A_149, %mul3A_281 : vector<16xf32>
        %add3A_285 = arith.addf %mul3A_284, %sub3A_283 : vector<16xf32>
        %swap3A_286 = arith.index_cast %scan3A_117 : i32 to index
        %swap3A_287 = arith.constant 32 : index
        %swap3A_288 = tpu.vector_load %arg13[%swap3A_286, %swap3A_287] {strides = array<i32>} : memref<128x128xf32, #tpu.memory_space<vmem>>, vector<16xf32>,
        tpu.vector_store %arg13[%swap3A_286, %swap3A_287], %add3A_285 {strides = array<i32>} : memref<128x128xf32, #tpu.memory_space<vmem>>, vector<16xf32>,
        %mul3A_289 = arith.mulf %mul3A_264, %get3A_73 : vector<16xf32>
        %mul3A_290 = arith.mulf %broadcast_in_dim3A_265, %mul3A_289 : vector<16xf32>
        %sub3A_291 = arith.subf %get3A_89, %mul3A_290 : vector<16xf32>
        %mul3A_292 = arith.mulf %add3A_158, %mul3A_289 : vector<16xf32>
        %add3A_293 = arith.addf %mul3A_292, %sub3A_291 : vector<16xf32>
        %swap3A_294 = arith.index_cast %scan3A_117 : i32 to index
        %swap3A_295 = arith.constant 48 : index
        %swap3A_296 = tpu.vector_load %arg13[%swap3A_294, %swap3A_295] {strides = array<i32>} : memref<128x128xf32, #tpu.memory_space<vmem>>, vector<16xf32>,
        tpu.vector_store %arg13[%swap3A_294, %swap3A_295], %add3A_293 {strides = array<i32>} : memref<128x128xf32, #tpu.memory_space<vmem>>, vector<16xf32>,
        %mul3A_297 = arith.mulf %mul3A_264, %get3A_75 : vector<16xf32>
        %mul3A_298 = arith.mulf %broadcast_in_dim3A_265, %mul3A_297 : vector<16xf32>
        %sub3A_299 = arith.subf %get3A_91, %mul3A_298 : vector<16xf32>
        %mul3A_300 = arith.mulf %add3A_167, %mul3A_297 : vector<16xf32>
        %add3A_301 = arith.addf %mul3A_300, %sub3A_299 : vector<16xf32>
        %swap3A_302 = arith.index_cast %scan3A_117 : i32 to index
        %swap3A_303 = arith.constant 64 : index
        %swap3A_304 = tpu.vector_load %arg13[%swap3A_302, %swap3A_303] {strides = array<i32>} : memref<128x128xf32, #tpu.memory_space<vmem>>, vector<16xf32>,
        tpu.vector_store %arg13[%swap3A_302, %swap3A_303], %add3A_301 {strides = array<i32>} : memref<128x128xf32, #tpu.memory_space<vmem>>, vector<16xf32>,
        %mul3A_305 = arith.mulf %mul3A_264, %get3A_77 : vector<16xf32>
        %mul3A_306 = arith.mulf %broadcast_in_dim3A_265, %mul3A_305 : vector<16xf32>
        %sub3A_307 = arith.subf %get3A_93, %mul3A_306 : vector<16xf32>
        %mul3A_308 = arith.mulf %add3A_176, %mul3A_305 : vector<16xf32>
        %add3A_309 = arith.addf %mul3A_308, %sub3A_307 : vector<16xf32>
        %swap3A_310 = arith.index_cast %scan3A_117 : i32 to index
        %swap3A_311 = arith.constant 80 : index
        %swap3A_312 = tpu.vector_load %arg13[%swap3A_310, %swap3A_311] {strides = array<i32>} : memref<128x128xf32, #tpu.memory_space<vmem>>, vector<16xf32>,
        tpu.vector_store %arg13[%swap3A_310, %swap3A_311], %add3A_309 {strides = array<i32>} : memref<128x128xf32, #tpu.memory_space<vmem>>, vector<16xf32>,
        %mul3A_313 = arith.mulf %mul3A_264, %get3A_79 : vector<16xf32>
        %mul3A_314 = arith.mulf %broadcast_in_dim3A_265, %mul3A_313 : vector<16xf32>
        %sub3A_315 = arith.subf %get3A_95, %mul3A_314 : vector<16xf32>
        %mul3A_316 = arith.mulf %add3A_185, %mul3A_313 : vector<16xf32>
        %add3A_317 = arith.addf %mul3A_316, %sub3A_315 : vector<16xf32>
        %swap3A_318 = arith.index_cast %scan3A_117 : i32 to index
        %swap3A_319 = arith.constant 96 : index
        %swap3A_320 = tpu.vector_load %arg13[%swap3A_318, %swap3A_319] {strides = array<i32>} : memref<128x128xf32, #tpu.memory_space<vmem>>, vector<16xf32>,
        tpu.vector_store %arg13[%swap3A_318, %swap3A_319], %add3A_317 {strides = array<i32>} : memref<128x128xf32, #tpu.memory_space<vmem>>, vector<16xf32>,
        %mul3A_321 = arith.mulf %mul3A_264, %get3A_81 : vector<16xf32>
        %mul3A_322 = arith.mulf %broadcast_in_dim3A_265, %mul3A_321 : vector<16xf32>
        %sub3A_323 = arith.subf %get3A_97, %mul3A_322 : vector<16xf32>
        %mul3A_324 = arith.mulf %add3A_194, %mul3A_321 : vector<16xf32>
        %add3A_325 = arith.addf %mul3A_324, %sub3A_323 : vector<16xf32>
        %swap3A_326 = arith.index_cast %scan3A_117 : i32 to index
        %swap3A_327 = arith.constant 112 : index
        %swap3A_328 = tpu.vector_load %arg13[%swap3A_326, %swap3A_327] {strides = array<i32>} : memref<128x128xf32, #tpu.memory_space<vmem>>, vector<16xf32>,
        tpu.vector_store %arg13[%swap3A_326, %swap3A_327], %add3A_325 {strides = array<i32>} : memref<128x128xf32, #tpu.memory_space<vmem>>, vector<16xf32>,
      }
      %scan3A_116 = arith.constant 128 : i32
      "tpu.region"() ({
        %run_scoped3A = tpu.sem_alloc : memref<!tpu.dma_semaphore, #tpu.memory_space<semaphore_mem>>
        %dma_start3A_117 = arith.constant 0 : i32
        %dma_start3A_118 = tpu.memref_slice %arg9[%add3A_106, %dma_start3A_117] : memref<204800x128xf32, #tpu.memory_space<hbm>> -> memref<128x128xf32, #tpu.memory_space<hbm>>
        %dma_start3A_119 = arith.constant 0 : i32
        %dma_start3A_120 = tpu.memref_slice %arg9[%add3A_106, %dma_start3A_119] : memref<204800x128xf32, #tpu.memory_space<hbm>> -> memref<128x128xf32, #tpu.memory_space<hbm>>
        tpu.enqueue_dma source(%arg13 : memref<128x128xf32, #tpu.memory_space<vmem>>) target(%dma_start3A_120 : memref<128x128xf32, #tpu.memory_space<hbm>>) target_semaphore(%run_scoped3A : memref<!tpu.dma_semaphore, #tpu.memory_space<semaphore_mem>>)
        %dma_wait3A_121 = arith.constant 0 : i32
        %dma_wait3A_122 = tpu.memref_slice %arg9[%add3A_106, %dma_wait3A_121] : memref<204800x128xf32, #tpu.memory_space<hbm>> -> memref<128x128xf32, #tpu.memory_space<hbm>>
        %dma_wait3A_123 = arith.constant 0 : i32
        %dma_wait3A_124 = tpu.memref_slice %arg9[%add3A_106, %dma_wait3A_123] : memref<204800x128xf32, #tpu.memory_space<hbm>> -> memref<128x128xf32, #tpu.memory_space<hbm>>
        tpu.wait_dma2 semaphore(%run_scoped3A : memref<!tpu.dma_semaphore, #tpu.memory_space<semaphore_mem>>) src(%arg13 : memref<128x128xf32, #tpu.memory_space<vmem>>) dst(%dma_wait3A_124 : memref<128x128xf32, #tpu.memory_space<hbm>>)
        tpu.yield
      }) : () -> ()
    }
    %scan3A_102 = arith.constant 50 : i32
    return
  }
}

</mosaic_0001>

<sc_bundles>
// kernel: kernel.3.cloned.1.call-start
scs
__scs_entry_jumppad:
0x0: {  	(pc) =	sbr.rel $0x88, $3  }
0x1: {  	(tag) =	ssettag $0x0;
	lr =	simm.s32 $0x1  }
0x2: {  	[smem:$0x3F9A] =	sst lr;
	_ =	strace $0xD0000000  }
0x3: {  	_ = 	snop  }
0x4: {  	_ = 	snop  }
0x5: {  	_ = 	snop  }
0x6: {  	_ = 	snop  }
0x7: {  	_ = 	snop  }
__scs_overlays_trampoline_lowered:
0x8: {  	[smem:$0x3FA9] =	sst s0  }
0x9: {  	[smem:$0x3FAA] =	sst s1  }
0xa: {  	[smem:$0x3FAB] =	sst s2  }
0xb: {  	[smem:$0x3FAC] =	sst s3  }
0xc: {  	[smem:$0x3FAD] =	sst s4  }
0xd: {  	[smem:$0x3FAE] =	sst s5  }
0xe: {  	[smem:$0x3FAF] =	sst s6  }
0xf: {  	[smem:$0x3FB0] =	sst s7  }
0x10: {  	[smem:$0x3FB1] =	sst s8  }
0x11: {  	[smem:$0x3FB2] =	sst s9;
	s0 =	simm.s32 @!p0 $0x0  }
0x12: {  	s1 =	sld [smem:$0x3F98];
	s0 =	simm.s32 @p0 $0x1  }
0x13: {  	[smem:$0x3FB3] =	sst s0;
	s0 =	simm.s32 @!p1 $0x0  }
0x14: {  	s2 =	sld [smem:$0x3F97];
	s0 =	simm.s32 @p1 $0x1  }
0x15: {  	[smem:$0x3FB4] =	sst s0;
	s0 =	simm.s32 @!p2 $0x0  }
0x16: {  	s3 =	sld [smem:$0x3FDB];
	s0 =	simm.s32 @p2 $0x1  }
0x17: {  	s4 =	simm.s32 $0x1BF5;
	[smem:$0x3FB6] =	sst s0  }
0x18: {  	s0 =	sld [smem:$0x3F99];
	_ =	swait.ge [sflag:s4], $0x0  }
0x19: {  	s7 =	sld [smem:$0x3F9A]  }
0x1a: {  	s8 =	sadd.s32 $0xFFFFE003, lr  }
0x1b: {  	s9 =	sadd.s32 $0xFFFFFEF7, lr;
	s5 =	simm.s32 $0xFFFFFFFF;
	p2 =	slt.u32 s8, $0xFFFFF086  }
0x1c: {  	p1 =	slt.u32 s9, $0xF7A;
	s5 =	simm.s32 @!p2 $0x0  }
0x1d: {  	s5 =	simm.s32 @p1 $0x1;
	p0 =	seq.s32 s7, s2  }
0x1e: {  	s7 =	smul.u32 @!p0 $0xF7A, s2;
	p2 =	seq.s32 @!p0 s5, $0x0  }
0x1f: {  	s9 =	smul.u32 $0xF7A, s1;
	s8 =	simm.s32 @!p0 $0x1BF5;
	p2 =	por !p2, p0  }
0x20: {  	[sflag:s8] =	ssyncset.s32 @!p0 $0xFFFFF086;
	s6 =	sadd.s32 @!p0 s3, s7;
	s7 =	simm.s32 @!p0 $0x108  }
0x21: {  	s3 =	sadd.s32 s3, s9;
	s6 =	sadd.s32 @!p0 $0x88, s6;
	s7 =	simm.s32 @p2 $0x1082  }
0x22: {  	[simem:s7], [sflag:s8] =	dma.local @!p0 [hbm:s6], $0xF7A  }
0x23: {  	s9 =	sor.u32 $0xD0000000, s2;
	s6 =	simm.s32 $0x108;
	_ =	swait.ge @!p0 [sflag:s8], $0x0  }
0x24: {  	s3 =	sadd.s32 $0x88, s3;
	s6 =	simm.s32 @!p1 $0x1082;
	[sflag:s4] =	ssyncset.s32 $0xFFFFF086  }
0x25: {  	[simem:s6], [sflag:s4] =	dma.local [hbm:s3], $0xF7A  }
0x26: {  	[smem:$0x3F9A] =	sst s1;
	(tag) =	ssettag s2;
	_ =	strace s9  }
0x27: {  	s1 =	sld [smem:$0x3FAA]  }
0x28: {  	s2 =	sld [smem:$0x3FAB]  }
0x29: {  	s4 =	sld [smem:$0x3FAD]  }
0x2a: {  	p0 =	seq.s32 s5, $0x0;
	s5 =	sld [smem:$0x3FAE]  }
0x2b: {  	s6 =	sld [smem:$0x3FAF]  }
0x2c: {  	s7 =	sld [smem:$0x3FB0]  }
0x2d: {  	s3 =	simm.s32 $0x108;
	s8 =	sld [smem:$0x3FB1]  }
0x2e: {  	s3 =	simm.s32 @!p0 $0x1082;
	s9 =	sld [smem:$0x3FB2]  }
0x2f: {  	lr =	sadd.s32 s0, s3;
	s0 =	sld [smem:$0x3FA9]  }
0x30: {  	s3 =	sld [smem:$0x3FAC]  }
0x31: {  	[smem:$0x3FB5] =	sst s10  }
0x32: {  	s10 =	sld [smem:$0x3FB3];
	_ =	sdelay $0x3  }
0x33: {  	p0 =	seq.s32 s10, $0x1;
	s10 =	sld [smem:$0x3FB5];
	_ =	sdelay $0x3  }
0x34: {  	[smem:$0x3FB5] =	sst s10  }
0x35: {  	s10 =	sld [smem:$0x3FB4];
	_ =	sdelay $0x3  }
0x36: {  	p1 =	seq.s32 s10, $0x1;
	s10 =	sld [smem:$0x3FB5];
	_ =	sdelay $0x3  }
0x37: {  	[smem:$0x3FB5] =	sst s10  }
0x38: {  	s10 =	sld [smem:$0x3FB6]  }
0x39: {  	_ = 	snop;
	(pc) =	sbr.ind lr, $3  }
0x3a: {  	_ = 	snop  }
0x3b: {  	_ = 	snop  }
0x3c: {  	p2 =	seq.s32 s10, $0x1;
	s10 =	sld [smem:$0x3FB5]  }
0x3d: {  	_ =	shalt  }
0x3e: {  	_ =	shalt  }
0x3f: {  	_ =	shalt  }
0x40: {  	_ =	shalt  }
0x41: {  	_ =	shalt  }
0x42: {  	_ =	shalt  }
0x43: {  	_ =	shalt  }
0x44: {  	_ =	shalt  }
0x45: {  	_ =	shalt  }
0x46: {  	_ =	shalt  }
0x47: {  	_ =	shalt  }
0x48: {  	_ =	shalt  }
0x49: {  	_ =	shalt  }
0x4a: {  	_ =	shalt  }
0x4b: {  	_ =	shalt  }
0x4c: {  	_ =	shalt  }
0x4d: {  	_ =	shalt  }
0x4e: {  	_ =	shalt  }
0x4f: {  	_ =	shalt  }
0x50: {  	_ =	shalt  }
0x51: {  	_ =	shalt  }
0x52: {  	_ =	shalt  }
0x53: {  	_ =	shalt  }
0x54: {  	_ =	shalt  }
0x55: {  	_ =	shalt  }
0x56: {  	_ =	shalt  }
0x57: {  	_ =	shalt  }
0x58: {  	_ =	shalt  }
0x59: {  	_ =	shalt  }
0x5a: {  	_ =	shalt  }
0x5b: {  	_ =	shalt  }
0x5c: {  	_ =	shalt  }
0x5d: {  	_ =	shalt  }
0x5e: {  	_ =	shalt  }
0x5f: {  	_ =	shalt  }
0x60: {  	_ =	shalt  }
0x61: {  	_ =	shalt  }
0x62: {  	_ =	shalt  }
0x63: {  	_ =	shalt  }
0x64: {  	_ =	shalt  }
0x65: {  	_ =	shalt  }
0x66: {  	_ =	shalt  }
0x67: {  	_ =	shalt  }
0x68: {  	_ =	shalt  }
0x69: {  	_ =	shalt  }
0x6a: {  	_ =	shalt  }
0x6b: {  	_ =	shalt  }
0x6c: {  	_ =	shalt  }
0x6d: {  	_ =	shalt  }
0x6e: {  	_ =	shalt  }
0x6f: {  	_ =	shalt  }
0x70: {  	_ =	shalt  }
0x71: {  	_ =	shalt  }
0x72: {  	_ =	shalt  }
0x73: {  	_ =	shalt  }
0x74: {  	_ =	shalt  }
0x75: {  	_ =	shalt  }
0x76: {  	_ =	shalt  }
0x77: {  	_ =	shalt  }
0x78: {  	_ =	shalt  }
0x79: {  	_ =	shalt  }
0x7a: {  	_ =	shalt  }
0x7b: {  	_ =	shalt  }
0x7c: {  	_ =	shalt  }
0x7d: {  	_ =	shalt  }
0x7e: {  	_ =	shalt  }
0x7f: {  	_ =	shalt  }
0x80: {  	_ =	shalt  }
0x81: {  	_ =	shalt  }
0x82: {  	_ =	shalt  }
0x83: {  	_ =	shalt  }
0x84: {  	_ =	shalt  }
0x85: {  	_ =	shalt  }
0x86: {  	_ =	shalt  }
0x87: {  	_ =	shalt  }
.Lfunc_end0:
.L_simem_size_0:
called_computation_lowered:
.L_overlay_start_0:
0x88: {  	s2 =	sld [smem:$0x3FD9]  }
0x89: {  	s3 =	sld [smem:$0x3FFE];
	_ =	sdelay $0x1  }
0x8a: {  	s1 =	srdreg.scid  }
0x8b: {  	s0 =	sand.u32 $0x1, s1  }
0x8c: {  	s17 =	sshll.u32 s0, $0xA;
	s2 =	sadd.s32 s3, s2  }
0x8d: {  	s2 =	sadd.s32 s2, s17  }
0x8e: {  	[smem:$0x3FC1] =	sst s2  }
0x8f: {  	_ = 	snop  }
0x90: {  	s2 =	sld [smem:$0x3FC7]  }
0x91: {  	s18 =	sld [smem:$0x3FC6]  }
0x92: {  	s4 =	sld [smem:$0x3FC5]  }
0x93: {  	s5 =	sld [smem:$0x3FC4]  }
0x94: {  	s6 =	sld [smem:$0x3FC3]  }
0x95: {  	s7 =	sld [smem:$0x3FD0];
	(tm) =	ssettm $0x1  }
0x96: {  	s8 =	sld [smem:$0x3FFB];
	_ =	sdelay $0x3  }
0x97: {  	_ =	strace s8  }
0x98: {  	s8 =	sld [smem:$0x3FFC];
	_ =	sdelay $0x3  }
0x99: {  	_ =	strace s8  }
0x9a: {  	s8 =	sld [smem:$0x3FFD];
	_ =	sdelay $0x3  }
0x9b: {  	_ =	strace s8  }
0x9c: {  	_ =	strace $0x8FFFFFFF  }
0x9d: {  	s19 =	sld [smem:$0x3FDB];
	_ =	sdelay $0x1  }
0x9e: {  	s9 =	simm.s32 $_scs_section_size  }
0x9f: {  	s10 =	simm.s32 $_size__tile_overlayer_lowered;
	s11 =	simm.s32 $_tile_overlayer_lowered  }
0xa0: {  	s22 =	simm.s32 $0x1BFF;
	s21 =	sshll.u32 s11, $0x1;
	s8 =	sadd.s32 s9, s19  }
0xa1: {  	s12 =	simm.s32 $0x0;
	s20 =	sshll.u32 s10, $0x1;
	s10 =	sadd.s32 s21, s8  }
0xa2: {  	[timem:s12], [sflag:s22] =	dma.local [hbm:s10], s20  }
0xa3: {  	_ =	swait.ge [sflag:s22], s20  }
0xa4: {  	s9 =	ssub.s32 $0x0, s20;
	[sflag:s22] =	ssyncset.done $0x0  }
0xa5: {  	[sflag:s22] =	ssyncadd.s32 s9;
	_ =	sdelay $0x1  }
0xa6: {  	s23 =	simm.s32 $0x1B8B  }
0xa7: {  	_ =	swait.ge [sflag:s23], $0x1  }
0xa8: {  	[sflag:s23] =	ssyncset.done $0x0  }
0xa9: {  	s25 =	simm.s32 $0x1B8E;
	s24 =	sld [smem:$0x3FFE];
	[sflag:s23] =	ssyncadd.s32 $0xFFFFFFFF  }
0xaa: {  	s26 =	simm.s32 $execute0_lowered;
	[smem:$0x3FD2] =	sst s25  }
0xab: {  	s10 =	sshll.u32 s26, $0x1;
	_ =	strace $0x80000046;
	[dreg:$0x1] =	wrdreg $0xFFFFFFFF  }
0xac: {  	s28 =	simm.s32 $_size_execute0_lowered;
	s8 =	sadd.s32 s8, s10;
	[dreg:$0x0] =	wrdreg $0x0  }
0xad: {  	s10 =	sshll.u32 s28, $0x1;
	[dreg:$0x2] =	wrdreg s8  }
0xae: {  	[dreg:$0x3] =	wrdreg s10  }
0xaf: {  	[dreg:$0x4] =	wrdreg $0xC0  }
0xb0: {  	_ =	task [dreg:s12], $0x5FFFF  }
0xb1: {  	[dreg:$0x1] =	wrdreg $0xFFFFFFFF  }
0xb2: {  	[dreg:$0x0] =	wrdreg $0x60  }
0xb3: {  	[dreg:$0x2] =	wrdreg s24  }
0xb4: {  	[dreg:$0x3] =	wrdreg s2  }
0xb5: {  	[dreg:$0x4] =	wrdreg s18  }
0xb6: {  	[dreg:$0x5] =	wrdreg s4  }
0xb7: {  	[dreg:$0x6] =	wrdreg s5  }
0xb8: {  	[dreg:$0x7] =	wrdreg s6  }
0xb9: {  	[dreg:$0x8] =	wrdreg s7  }
0xba: {  	[dreg:$0x9] =	wrdreg $0x9  }
0xbb: {  	_ =	task.clear_ibuf [dreg:s12], $0xAFFFF;
	_ =	strace $0x90000046  }
0xbc: {  	s29 =	simm.s32 $0x9;
	_ =	strace $0x80000048  }
0xbd: {  	_ =	swait.ge [sflag:s29], $0x1  }
0xbe: {  	[sflag:s29] =	ssyncadd.s32 $0xFFFFFFFF  }
0xbf: {  	_ =	strace $0x90000048  }
0xc0: {  	_ =	sfence  }
0xc1: {  	s30 =	sld [smem:$0x0];
	_ =	sdelay $0x2  }
0xc2: {  	s31 =	sshll.u32 s1, $0xD;
	s1 =	sshrl.u32 s1, $0x2  }
0xc3: {  	s3 =	sand.u32 $0x4000, s31;
	s1 =	sadd.s32 s1, s30  }
0xc4: {  	s0 =	sor.u32 s3, s0;
	s1 =	sshll.u32 s1, $0x11  }
0xc5: {  	s0 =	sor.u32 s1, s0  }
0xc6: {  	s0 =	sadd.s32 $0x8F2B, s0  }
0xc7: {  	[sflag:s0] =	ssyncadd.remote.s32 $0x1  }
0xc8: {  	_ =	sfence.sel $0xFFFF  }
0xc9: {  	[dreg:$0x0] =	wrdreg $0xFFFFFFFF;
	(pc) =	sbr.abs _section_cstart, $3  }
0xca: {  	[dreg:$0x1] =	wrdreg $0xFFFFFFFF  }
0xcb: {  	_ =	task.clear_ibuf [dreg:s12], $0x2FFFF;
	_ =	strace $0x9FFFFFFF  }
0xcc: {  	(tm) =	ssettm $0x7FFFFFFF  }
0xcd: {  	_ =	shalt  }
tec
execute0_lowered:
.L_overlay_start_1:
0x0: {  	(tag) =	ssettag $0x1  }
0x1: {  	s1 =	rddreg [dreg:$0x0]  }
0x2: {  	s0 =	rddreg [dreg:$0x1]  }
0x3: {  	s4 =	rddreg [dreg:$0x4]  }
0x4: {  	s5 =	rddreg [dreg:$0x5]  }
0x5: {  	s6 =	rddreg [dreg:$0x6]  }
0x6: {  	s2 =	srdreg.scid;
	s8 =	simm.s32 $0x0;
	s3 =	stileid.u32  }
0x7: {  	s13 =	simm.s32 $0x2;
	s14 =	simm.s32 $0xE500;
	s15 =	simm.s32 $0xE600  }
0x8: {  	s16 =	simm.s32 $0xE680;
	s17 =	simm.s32 $0x80;
	s18 =	simm.s32 $0x100  }
0x9: {  	s19 =	simm.s32 $0x1;
	s20 =	simm.s32 $0x4100;
	s2 =	sand.u32 $0x1, s2  }
0xa: {  	s21 =	simm.s32 $0x0;
	[smem:$0x7FF] =	sst s8;
	s7 =	ssub.s32 $0x2, s2  }
0xb: {  	s11 =	sshll.u32 s3, $0x1;
	s9 =	sadd.s32 $0x400, s1;
	s10 =	sshrl.u32 s7, $0x1  }
0xc: {  	_ =	strace $0x80000047;
	s2 =	sor.u32 s2, s11;
	s7 =	ssub.s32 s7, s10  }
0xd: {  	s11 =	smul.u32 $0x1900, s2;
	s10 =	sadd.s32 $0x6800, s1;
	s12 =	smax.u32 s7, $0x1  }
.LBB2_1:
0xe: {  	s22 =	simm.s32 $0x8100;
	s1 =	rddreg [dreg:$0x2]  }
0xf: {  	[tilespmem:s22], [sflag:$0x2] =	stream.linear.gather [hbm4b:s1+s8], $0x6400, $0x38;
	[tilespmem:$0xE700] =	vst v63  }
0x10: {  	_ =	swait.ge [sflag:s13], $0x6400  }
0x11: {  	[sflag:s13] =	ssyncset.done $0x0  }
0x12: {  	[sflag:s13] =	ssyncadd.s32 $0xFFFF9C00  }
0x13: {  	s31 =	rddreg [dreg:$0x3]  }
0x14: {  	[tilespmem:s14], [sflag:$0x2] =	stream.linear.gather [hbm4b:s31+s8], $0x100, $0x38;
	[tilespmem:$0xE700] =	vst v63  }
0x15: {  	_ =	swait.ge [sflag:s13], $0x100  }
0x16: {  	[sflag:s13] =	ssyncset.done $0x0  }
0x17: {  	[sflag:s13] =	ssyncadd.s32 $0xFFFFFF00  }
0x18: {  	[tilespmem:s15], [sflag:$0x2] =	stream.linear.gather [hbm4b:s4+s8], $0x80, $0x38;
	[tilespmem:$0xE700] =	vst v63  }
0x19: {  	_ =	swait.ge [sflag:s13], $0x80  }
0x1a: {  	[sflag:s13] =	ssyncset.done $0x0  }
0x1b: {  	[sflag:s13] =	ssyncadd.s32 $0xFFFFFF80  }
0x1c: {  	[tilespmem:s16], [sflag:$0x2] =	stream.linear.gather [hbm4b:s5+s8], $0x80, $0x38;
	[tilespmem:$0xE700] =	vst v63  }
0x1d: {  	_ =	swait.ge [sflag:s13], $0x80  }
0x1e: {  	[sflag:s13] =	ssyncset.done $0x0  }
0x1f: {  	[sflag:s13] =	ssyncadd.s32 $0xFFFFFF80  }
0x20: {  	v0 =	vld [tilespmem:$0xE500]  }
0x21: {  	v1 =	vld [tilespmem:$0xE510]  }
0x22: {  	v2 =	vld [tilespmem:$0xE520]  }
0x23: {  	v3 =	vld [tilespmem:$0xE530]  }
0x24: {  	v4 =	vld [tilespmem:$0xE540]  }
0x25: {  	v5 =	vld [tilespmem:$0xE550]  }
0x26: {  	v6 =	vld [tilespmem:$0xE560]  }
0x27: {  	v7 =	vld [tilespmem:$0xE570]  }
0x28: {  	v8 =	vld [tilespmem:$0xE580]  }
0x29: {  	v9 =	vld [tilespmem:$0xE590]  }
0x2a: {  	v10 =	vld [tilespmem:$0xE5A0]  }
0x2b: {  	v11 =	vld [tilespmem:$0xE5B0]  }
0x2c: {  	v12 =	vld [tilespmem:$0xE5C0]  }
0x2d: {  	v13 =	vld [tilespmem:$0xE5D0]  }
0x2e: {  	v14 =	vld [tilespmem:$0xE5E0]  }
0x2f: {  	v15 =	vld [tilespmem:$0xE5F0]  }
0x30: {  	v16 =	vld [tilespmem:$0xE600]  }
0x31: {  	v17 =	vld [tilespmem:$0xE610]  }
0x32: {  	v18 =	vld [tilespmem:$0xE620]  }
0x33: {  	v19 =	vld [tilespmem:$0xE630]  }
0x34: {  	v20 =	vld [tilespmem:$0xE640]  }
0x35: {  	v21 =	vld [tilespmem:$0xE650]  }
0x36: {  	v22 =	vld [tilespmem:$0xE660]  }
0x37: {  	v23 =	vld [tilespmem:$0xE670]  }
0x38: {  	v24 =	vld [tilespmem:$0xE680]  }
0x39: {  	v25 =	vld [tilespmem:$0xE690]  }
0x3a: {  	v26 =	vld [tilespmem:$0xE6A0]  }
0x3b: {  	v27 =	vld [tilespmem:$0xE6B0]  }
0x3c: {  	v28 =	vld [tilespmem:$0xE6C0]  }
0x3d: {  	v29 =	vld [tilespmem:$0xE6D0]  }
0x3e: {  	v30 =	vld [tilespmem:$0xE6E0]  }
0x3f: {  	s24 =	simm.s32 $0x0;
	s1 =	simm.s32 $0x0;
	v31 =	vld [tilespmem:$0xE6F0]  }
.LBB2_2:
0x40: {  	s2 =	sshll.u32 s24, $0x7  }
0x41: {  	s25 =	sadd.s32 s11, s2  }
0x42: {  	s2 =	sshrl.u32 s25, $0x3  }
0x43: {  	s23 =	simm.s32 $0x0;
	s7 =	sadd.s32 s9, s2  }
0x44: {  	[tilespmem:s23], [sflag:$0x2] =	stream.linear.gather [hbm4b:s7+s23], $0x80, $0x38;
	[tilespmem:$0xE700] =	vst v63  }
0x45: {  	_ =	swait.ge [sflag:s13], $0x80  }
0x46: {  	[sflag:s13] =	ssyncset.done $0x0  }
0x47: {  	s2 =	sadd.s32 s10, s2;
	[sflag:s13] =	ssyncadd.s32 $0xFFFFFF80  }
0x48: {  	[tilespmem:s17], [sflag:$0x2] =	stream.linear.gather [hbm4b:s2+s23], $0x80, $0x38;
	[tilespmem:$0xE700] =	vst v63  }
0x49: {  	_ =	swait.ge [sflag:s13], $0x80  }
0x4a: {  	[sflag:s13] =	ssyncset.done $0x0  }
0x4b: {  	[sflag:s13] =	ssyncadd.s32 $0xFFFFFF80  }
0x4c: {  	[tilespmem:s18], [sflag:$0x1] =	stream.indirect.gather [hbm4b:s0+s17], $0x80, s23, s17, $0xb8;
	[tilespmem:$0xE700] =	vst v63  }
0x4d: {  	_ =	swait.ge [sflag:s19], $0x4000  }
0x4e: {  	[sflag:s19] =	ssyncset.done $0x0  }
0x4f: {  	s26 =	simm.s32 $0x140;
	[sflag:s19] =	ssyncadd.s32 $0xFFFFC000  }
0x50: {  	v33 =	vld [tilespmem:s26+$0xFFFFFFE0]  }
0x51: {  	s3 =	smulhi.u32 $0x51EB851F, s1;
	v36 =	vld [tilespmem:s26+$0x20]  }
0x52: {  	v32 =	vmov s23;
	v37 =	vld [tilespmem:s26+$0x0]  }
0x53: {  	s7 =	sshrl.u32 s3, $0x6;
	v35 =	vld [tilespmem:s26+$0xFFFFFFD0]  }
0x54: {  	s7 =	smul.u32 $0xFFFE7000, s7;
	v34 =	vld [tilespmem:s26+$0xFFFFFFF0]  }
0x55: {  	v38 =	vld [tilespmem:s26+$0x10]  }
0x56: {  	s7 =	sshra.s32 s7, $0x2;
	v39 =	vld [tilespmem:s26+$0x30]  }
0x57: {  	s7 =	sadd.s32 s7, s22;
	v32 =	vld.idx.msk [tilespmem:v32+s17+$0x0], $0xffff  }
0x58: {  	v40 =	vld [tilespmem:s7+$0x70]  }
0x59: {  	v41 =	vld [tilespmem:s7+$0x50]  }
0x5a: {  	v42 =	vld [tilespmem:s7+$0x30]  }
0x5b: {  	v43 =	vld [tilespmem:s7+$0x10]  }
0x5c: {  	v44 =	vld [tilespmem:s7+$0x40]  }
0x5d: {  	v45 =	vld [tilespmem:s7+$0x60]  }
0x5e: {  	v63 =	vld [tilespmem:s7+$0x20]  }
0x5f: {  	v46 =	vld [tilespmem:s7+$0x0]  }
0x60: {  	v54 =	vld [tilespmem:s26+$0xFFFFFFC0];
	_ =	sdelay $0x1  }
0x61: {  	v62 =	vadd.f32 v40, v39;
	v38 =	vadd.f32 v41, v38  }
0x62: {  	v42 =	vadd.f32 v42, v34;
	v35 =	vadd.f32 v43, v35  }
0x63: {  	v36 =	vadd.f32 v45, v36;
	v37 =	vadd.f32 v44, v37  }
0x64: {  	vm0 =	vgt.s32 v32, $0x0;
	v39 =	vadd.f32 v63, v33;
	v41 =	vadd.f32 v46, v54  }
0x65: {  	v52 =	vsel vm0, v11, v3;
	v53 =	vsel vm0, v15, v7;
	v55 =	vsel vm0, v13, v5  }
0x66: {  	v56 =	vsel vm0, v12, v4;
	v47 =	vsel vm0, v9, v1;
	v34 =	vadd.f32 v62, v53  }
0x67: {  	v48 =	vsel vm0, v14, v6;
	v32 =	vadd.f32 v38, v55;
	v35 =	vadd.f32 v35, v47  }
0x68: {  	v57 =	vsel vm0, v10, v2;
	v38 =	vadd.f32 v42, v52;
	v33 =	vadd.f32 v36, v48  }
0x69: {  	v59 =	vsel vm0, v8, v0;
	v36 =	vadd.f32 v37, v56;
	v39 =	vadd.f32 v39, v57  }
0x6a: {  	v37 =	vadd.f32 v41, v59;
	v49 =	vmul.f32 v34, v34;
	v58 =	vmul.f32 v32, v32  }
0x6b: {  	v42 =	vmul.f32 v35, v35;
	v60 =	vadd.f32 v34, v33;
	v61 =	vmul.f32 v38, v38  }
0x6c: {  	v62 =	vmul.f32 v36, v36;
	v63 =	vadd.f32 v38, v39;
	v54 =	vmul.f32 v39, v39  }
0x6d: {  	v55 =	vmul.f32 v33, v33;
	v56 =	vadd.f32 v32, v36;
	v50 =	vadd.f32 v35, v37  }
0x6e: {  	v51 =	vmul.f32 v37, v37;
	v40 =	vadd.f32 v58, v62;
	v57 =	vadd.f32 v61, v54  }
0x6f: {  	v44 =	vadd.f32 v63, v50;
	v43 =	vadd.f32 v60, v56  }
0x70: {  	v58 =	vadd.f32 v49, v55;
	v42 =	vadd.f32 v42, v51  }
0x71: {  	v43 =	vadd.f32 v43, v44  }
0x72: {  	v41 =	vadd.f32 v57, v42;
	v40 =	vadd.f32 v58, v40  }
0x73: {  	(xrf2) =	vadd.scan.msk.f32 $0xffff, v43  }
0x74: {  	v40 =	vadd.f32 v40, v41;
	_ =	sdelay $0x1  }
0x75: {  	(xrf2) =	vadd.scan.msk.f32 $0xffff, v40;
	_ =	sdelay $0x6  }
0x76: {  	v59, _, _ =	vpop (xrf2)  }
0x77: {  	(v2sf) =	vpush v59, $0xF;
	_ =	sdelay $0x1  }
0x78: {  	v60, _, _ =	vpop (xrf2)  }
0x79: {  	(v2sf) =	vpush v60, $0xF;
	_ =	sdelay $0xb  }
0x7a: {  	s23 =	spop (v2sf)  }
0x7b: {  	s7 =	smul.f32 $7.812500000e-03, s23;
	_ =	sdelay $0x1  }
0x7c: {  	s26 =	spop (v2sf);
	s2 =	smul.f32 s7, s7  }
0x7d: {  	s23 =	smul.f32 $7.812500000e-03, s26;
	_ =	sdelay $0x1  }
0x7e: {  	s2 =	ssub.f32 s23, s2;
	_ =	sdelay $0x1  }
0x7f: {  	s2 =	sadd.f32 $9.999999960e-13, s2;
	_ =	sdelay $0x1  }
0x80: {  	v61 =	vmov s2  }
0x81: {  	v62 =	vshra.s32 v61, $0x1;
	v40 =	vmul.f32 $5.000000000e-01, v61  }
0x82: {  	v41 =	vsub.s32 $0x5F3759DF, v62  }
0x83: {  	v63 =	vmul.f32 v41, v40;
	_ =	sdelay $0x1  }
0x84: {  	v42 =	vmul.f32 v41, v63;
	_ =	sdelay $0x1  }
0x85: {  	v42 =	vsub.f32 $1.500000000e+00, v42;
	_ =	sdelay $0x1  }
0x86: {  	v41 =	vmul.f32 v41, v42;
	_ =	sdelay $0x1  }
0x87: {  	v42 =	vmul.f32 v41, v40;
	_ =	sdelay $0x1  }
0x88: {  	v42 =	vmul.f32 v42, v41;
	_ =	sdelay $0x1  }
0x89: {  	v42 =	vsub.f32 $1.500000000e+00, v42;
	_ =	sdelay $0x1  }
0x8a: {  	v41 =	vmul.f32 v42, v41;
	_ =	sdelay $0x1  }
0x8b: {  	v40 =	vmul.f32 v41, v40;
	_ =	sdelay $0x1  }
0x8c: {  	v40 =	vmul.f32 v40, v41;
	_ =	sdelay $0x1  }
0x8d: {  	v40 =	vsub.f32 $1.500000000e+00, v40  }
0x8e: {  	s28 =	simm.s32 $0x4140;
	s29 =	simm.s32 $0x1;
	s30 =	simm.s32 $0x1C0  }
0x8f: {  	s31 =	smov.u32 s22;
	s26 =	simm.s32 $0x4140;
	s23 =	smov.u32 s1;
	v40 =	vmul.f32 v40, v41  }
.LBB2_3:
0x90: {  	s31 =	sadd.s32 $0x80, s31;
	s23 =	sadd.s32 $0x1, s23;
	s28 =	sadd.s32 $0x80, s28  }
0x91: {  	p0 =	sne.s32 s29, $0x7F;
	s2 =	smov.u32 s29;
	s29 =	sadd.s32 $0x1, s29;
	v41 =	vmul.f32 v40, v16;
	v42 =	vmul.f32 v40, v17  }
0x92: {  	v43 =	vmul.f32 v40, v18;
	v44 =	vmul.f32 v40, v19  }
0x93: {  	v45 =	vmul.f32 v40, v20;
	v46 =	vmul.f32 v40, v21  }
0x94: {  	v47 =	vmul.f32 s7, v43;
	v48 =	vmul.f32 s7, v44  }
0x95: {  	v39 =	vmul.f32 v43, v39;
	v38 =	vmul.f32 v44, v38  }
0x96: {  	v43 =	vsub.f32 v26, v47;
	v44 =	vsub.f32 v27, v48;
	v47 =	vmul.f32 s7, v45  }
0x97: {  	v49 =	vmul.f32 v40, v23;
	v48 =	vmul.f32 s7, v46  }
0x98: {  	v50 =	vmul.f32 s7, v41;
	v51 =	vmul.f32 s7, v42;
	v39 =	vadd.f32 v43, v39  }
0x99: {  	v38 =	vadd.f32 v44, v38;
	v43 =	vsub.f32 v29, v48;
	v44 =	vmul.f32 s7, v49  }
0x9a: {  	v34 =	vmul.f32 v49, v34;
	v48 =	vsub.f32 v24, v50;
	v50 =	vsub.f32 v25, v51;
	[tilespmem:s26+$0xFFFFFFE0] =	vst v39  }
0x9b: {  	v37 =	vmul.f32 v41, v37;
	[tilespmem:s26+$0xFFFFFFF0] =	vst v38;
	v38 =	vsub.f32 v31, v44  }
0x9c: {  	v35 =	vmul.f32 v42, v35  }
0x9d: {  	v36 =	vmul.f32 v45, v36;
	v39 =	vsub.f32 v28, v47;
	v34 =	vadd.f32 v38, v34  }
0x9e: {  	v32 =	vmul.f32 v46, v32;
	v37 =	vadd.f32 v48, v37;
	v35 =	vadd.f32 v50, v35  }
0x9f: {  	v36 =	vadd.f32 v39, v36;
	v38 =	vmul.f32 v40, v22;
	[tilespmem:s26+$0x30] =	vst v34  }
0xa0: {  	v32 =	vadd.f32 v43, v32;
	[tilespmem:s26+$0xFFFFFFD0] =	vst v35  }
0xa1: {  	v34 =	vmul.f32 s7, v38;
	v33 =	vmul.f32 v38, v33;
	[tilespmem:s26+$0x0] =	vst v36  }
0xa2: {  	[tilespmem:s26+$0x10] =	vst v32  }
0xa3: {  	v32 =	vsub.f32 v30, v34;
	[tilespmem:s26+$0xFFFFFFC0] =	vst v37;
	_ =	sdelay $0x1  }
0xa4: {  	v32 =	vadd.f32 v32, v33;
	_ =	sdelay $0x1  }
0xa5: {  	[tilespmem:s26+$0x20] =	vst v32;
	s26 =	smov.u32 s28  }
0xa6: {  	v33 =	vld [tilespmem:s30+$0xFFFFFFE0]  }
0xa7: {  	s7 =	smulhi.u32 $0x51EB851F, s23;
	v36 =	vld [tilespmem:s30+$0x20]  }
0xa8: {  	v32 =	vmov s2;
	v37 =	vld [tilespmem:s30+$0x0]  }
0xa9: {  	s2 =	sshrl.u32 s7, $0x6;
	v35 =	vld [tilespmem:s30+$0xFFFFFFD0]  }
0xaa: {  	s2 =	smul.u32 $0xFFFE7000, s2;
	v34 =	vld [tilespmem:s30+$0xFFFFFFF0]  }
0xab: {  	v38 =	vld [tilespmem:s30+$0x10]  }
0xac: {  	s2 =	sshra.s32 s2, $0x2;
	v39 =	vld [tilespmem:s30+$0x30]  }
0xad: {  	s2 =	sadd.s32 s2, s31;
	v32 =	vld.idx.msk [tilespmem:v32+s17+$0x0], $0xffff  }
0xae: {  	v40 =	vld [tilespmem:s2+$0x70]  }
0xaf: {  	v41 =	vld [tilespmem:s2+$0x50]  }
0xb0: {  	v42 =	vld [tilespmem:s2+$0x30]  }
0xb1: {  	v43 =	vld [tilespmem:s2+$0x10]  }
0xb2: {  	v44 =	vld [tilespmem:s2+$0x40]  }
0xb3: {  	vm0 =	vgt.s32 v32, $0x0;
	v45 =	vld [tilespmem:s2+$0x60];
	v32 =	vadd.f32 v40, v39  }
0xb4: {  	v40 =	vsel vm0, v11, v3;
	v39 =	vld [tilespmem:s2+$0x20];
	v38 =	vadd.f32 v41, v38;
	v41 =	vsel vm0, v15, v7  }
0xb5: {  	v47 =	vsel vm0, v12, v4;
	v46 =	vld [tilespmem:s2+$0x0];
	v42 =	vadd.f32 v42, v34;
	v34 =	vadd.f32 v32, v41  }
0xb6: {  	v48 =	vsel vm0, v9, v1;
	v32 =	vsel vm0, v13, v5;
	v41 =	vld [tilespmem:s30+$0xFFFFFFC0];
	v35 =	vadd.f32 v43, v35  }
0xb7: {  	v32 =	vadd.f32 v38, v32;
	v43 =	vsel vm0, v14, v6;
	v49 =	vmul.f32 v34, v34  }
0xb8: {  	v35 =	vadd.f32 v35, v48;
	v48 =	vsel vm0, v10, v2;
	v36 =	vadd.f32 v45, v36  }
0xb9: {  	v38 =	vadd.f32 v42, v40;
	v37 =	vadd.f32 v44, v37;
	v40 =	vmul.f32 v32, v32  }
0xba: {  	v39 =	vadd.f32 v39, v33;
	v33 =	vadd.f32 v36, v43;
	v42 =	vmul.f32 v35, v35  }
0xbb: {  	v43 =	vsel vm0, v8, v0;
	v36 =	vadd.f32 v37, v47;
	v41 =	vadd.f32 v46, v41  }
0xbc: {  	v45 =	vmul.f32 v38, v38;
	v39 =	vadd.f32 v39, v48;
	v44 =	vadd.f32 v34, v33  }
0xbd: {  	v37 =	vadd.f32 v41, v43;
	v41 =	vmul.f32 v36, v36;
	v43 =	vmul.f32 v33, v33  }
0xbe: {  	v47 =	vadd.f32 v32, v36;
	v46 =	vadd.f32 v38, v39;
	v48 =	vmul.f32 v39, v39  }
0xbf: {  	v50 =	vadd.f32 v35, v37;
	v51 =	vmul.f32 v37, v37;
	v40 =	vadd.f32 v40, v41  }
0xc0: {  	v41 =	vadd.f32 v45, v48;
	v43 =	vadd.f32 v49, v43  }
0xc1: {  	v44 =	vadd.f32 v44, v47;
	v45 =	vadd.f32 v46, v50  }
0xc2: {  	v42 =	vadd.f32 v42, v51  }
0xc3: {  	v44 =	vadd.f32 v44, v45  }
0xc4: {  	v40 =	vadd.f32 v43, v40;
	v41 =	vadd.f32 v41, v42  }
0xc5: {  	(xrf2) =	vadd.scan.msk.f32 $0xffff, v44  }
0xc6: {  	v40 =	vadd.f32 v40, v41;
	_ =	sdelay $0x1  }
0xc7: {  	(xrf2) =	vadd.scan.msk.f32 $0xffff, v40;
	_ =	sdelay $0x6  }
0xc8: {  	v40, _, _ =	vpop (xrf2)  }
0xc9: {  	(v2sf) =	vpush v40, $0xF;
	_ =	sdelay $0x1  }
0xca: {  	v40, _, _ =	vpop (xrf2)  }
0xcb: {  	(v2sf) =	vpush v40, $0xF;
	_ =	sdelay $0xb  }
0xcc: {  	s2 =	spop (v2sf)  }
0xcd: {  	s7 =	smul.f32 $7.812500000e-03, s2;
	_ =	sdelay $0x1  }
0xce: {  	s2 =	smul.f32 s7, s7;
	s3 =	spop (v2sf)  }
0xcf: {  	s3 =	smul.f32 $7.812500000e-03, s3;
	_ =	sdelay $0x1  }
0xd0: {  	s2 =	ssub.f32 s3, s2;
	_ =	sdelay $0x1  }
0xd1: {  	s2 =	sadd.f32 $9.999999960e-13, s2;
	_ =	sdelay $0x1  }
0xd2: {  	v40 =	vmov s2  }
0xd3: {  	v41 =	vshra.s32 v40, $0x1;
	v40 =	vmul.f32 $5.000000000e-01, v40  }
0xd4: {  	v41 =	vsub.s32 $0x5F3759DF, v41  }
0xd5: {  	v42 =	vmul.f32 v41, v40;
	_ =	sdelay $0x1  }
0xd6: {  	v42 =	vmul.f32 v41, v42;
	_ =	sdelay $0x1  }
0xd7: {  	v42 =	vsub.f32 $1.500000000e+00, v42;
	_ =	sdelay $0x1  }
0xd8: {  	v41 =	vmul.f32 v41, v42;
	_ =	sdelay $0x1  }
0xd9: {  	v42 =	vmul.f32 v41, v40;
	_ =	sdelay $0x1  }
0xda: {  	v42 =	vmul.f32 v42, v41;
	_ =	sdelay $0x1  }
0xdb: {  	v42 =	vsub.f32 $1.500000000e+00, v42;
	_ =	sdelay $0x1  }
0xdc: {  	v41 =	vmul.f32 v42, v41;
	_ =	sdelay $0x1  }
0xdd: {  	v40 =	vmul.f32 v41, v40;
	_ =	sdelay $0x1  }
.Ltmp0:
0xde: {  	v40 =	vmul.f32 v40, v41;
	(pc) =	sbr.rel @p0 .LBB2_3-.Ltmp0, $3  }
0xdf: {  	_ = 	snop  }
0xe0: {  	v40 =	vsub.f32 $1.500000000e+00, v40;
	_ =	sdelay $0x1  }
0xe1: {  	s30 =	sadd.s32 $0x80, s30;
	v40 =	vmul.f32 v40, v41  }
0xe2: {  	_ = 	snop  }
0xe3: {  	v41 =	vmul.f32 v40, v16;
	v42 =	vmul.f32 v40, v17  }
0xe4: {  	v43 =	vmul.f32 v40, v18;
	v44 =	vmul.f32 v40, v19  }
0xe5: {  	v45 =	vmul.f32 v40, v20;
	v46 =	vmul.f32 v40, v21  }
0xe6: {  	v61 =	vmul.f32 v40, v23;
	v57 =	vmul.f32 v40, v22  }
0xe7: {  	v47 =	vmul.f32 s7, v43;
	v48 =	vmul.f32 s7, v44  }
0xe8: {  	v39 =	vmul.f32 v43, v39;
	v38 =	vmul.f32 v44, v38  }
0xe9: {  	v63 =	vmul.f32 s7, v45;
	v49 =	vmul.f32 s7, v46  }
0xea: {  	v50 =	vmul.f32 s7, v41;
	v51 =	vmul.f32 s7, v61;
	v60 =	vsub.f32 v26, v47  }
0xeb: {  	v54 =	vmul.f32 s7, v42;
	v34 =	vmul.f32 v61, v34;
	v62 =	vsub.f32 v27, v48  }
0xec: {  	v35 =	vmul.f32 v42, v35;
	v56 =	vsub.f32 v31, v51;
	v39 =	vadd.f32 v60, v39  }
0xed: {  	v36 =	vmul.f32 v45, v36;
	v43 =	vsub.f32 v25, v54;
	v38 =	vadd.f32 v62, v38  }
0xee: {  	v59 =	vmul.f32 s7, v57;
	v58 =	vsub.f32 v28, v63;
	v34 =	vadd.f32 v56, v34;
	[tilespmem:s26+$0xFFFFFFE0] =	vst v39  }
0xef: {  	v32 =	vmul.f32 v46, v32;
	v55 =	vsub.f32 v29, v49;
	v35 =	vadd.f32 v43, v35;
	[tilespmem:s26+$0xFFFFFFF0] =	vst v38  }
0xf0: {  	v33 =	vmul.f32 v57, v33;
	v61 =	vsub.f32 v30, v59;
	v36 =	vadd.f32 v58, v36;
	[tilespmem:s26+$0x30] =	vst v34  }
0xf1: {  	v37 =	vmul.f32 v41, v37;
	v60 =	vsub.f32 v24, v50;
	v32 =	vadd.f32 v55, v32;
	[tilespmem:s26+$0xFFFFFFD0] =	vst v35  }
0xf2: {  	v63 =	vadd.f32 v61, v33;
	[tilespmem:s26+$0x0] =	vst v36  }
0xf3: {  	s24 =	sadd.s32 $0x1, s24;
	v62 =	vadd.f32 v60, v37;
	[tilespmem:s26+$0x10] =	vst v32  }
0xf4: {  	s2 =	sshll.u32 s25, $0x4;
	p0 =	sne.s32 s24, $0x32;
	[tilespmem:s26+$0x20] =	vst v63  }
.Ltmp1:
0xf5: {  	s2 =	sadd.s32 s6, s2;
	[tilespmem:s26+$0xFFFFFFC0] =	vst v62;
	(pc) =	sbr.rel @p0 .LBB2_2-.Ltmp1, $4  }
0xf6: {  	[hbm4b:s2+s8] =	stream.linear.scatter [tilespmem:s20], [sflag:$0x2], $0x4000, $0x38;
	[tilespmem:$0xE700] =	vst v63  }
0xf7: {  	_ =	swait.ge [sflag:s13], $0x4000  }
0xf8: {  	[sflag:s13] =	ssyncset.done $0x0  }
0xf9: {  	s22 =	sadd.s32 $0x4000, s22;
	s1 =	sadd.s32 $0x80, s1;
	[sflag:s13] =	ssyncadd.s32 $0xFFFFC000  }
0xfa: {  	s21 =	sadd.s32 $0x1, s21  }
0xfb: {  	p0 =	sne.s32 s21, s12  }
.Ltmp2:
0xfc: {  	_ = 	snop;
	(pc) =	sbr.rel @p0 .LBB2_1-.Ltmp2, $1  }
0xfd: {  	_ =	sdelay $0x3  }
0xfe: {  	_ =	sfence.sel $0x180000  }
0xff: {  	[bflag:$0x0] =	sbarrier.arrive $0xFFFF  }
0x100: {  	_ =	strace $0x90000047  }
0x101: {  	s0 =	stileid.u32;
	[bflag:$0x2] =	sbarrier.arrive $0xFFFF  }
0x102: {  	p0 =	sne.s32 s0, $0x0;
	s0 =	rddreg [dreg:$0x7]  }
0x103: {  	s0 =	sadd.s32 @!p0 $0x100000, s0  }
0x104: {  	[sflag:s0] =	ssyncadd.tile.s32 @!p0 $0x1;
	_ =	shalt  }
.Lfunc_end2:
_tile_overlayer_lowered:
.L_overlay_start_2:
0x105: {  	(tag) =	ssettag $0x2  }
0x106: {  	s0 =	rddreg [dreg:$0x0];
	s2 =	stileid.u32  }
0x107: {  	s1 =	rddreg [dreg:$0x1];
	p0 =	sne.s32 s2, $0x0  }
0x108: {  	s3 =	rddreg [dreg:$0x2];
	[bflag:$0x3] =	sbarrier.arrive $0xFFFF;
	s2 =	simm.s32 @!p0 $0x1C02  }
0x109: {  	[timem:s3], [sflag:s2] =	dma.local @!p0 [hbm:s0], s1  }
0x10a: {  	s0 =	simm.s32 @!p0 $0x2  }
0x10b: {  	_ =	swait.ge @!p0 [sflag:s0], s1  }
0x10c: {  	s1 =	ssub.s32 @!p0 $0x0, s1;
	[sflag:s0] =	ssyncset.done @!p0 $0x0  }
0x10d: {  	[sflag:s0] =	ssyncadd.s32 @!p0 s1  }
0x10e: {  	[bflag:$0x3] =	sbarrier.arrive $0xFFFF  }
0x10f: {  	_ =	shalt  }

</sc_bundles>
